<compile_context>
chip_gen: v7x
topology: tpu7x:2x2x1
jax: 0.10.2.dev20260603
libtpu: 0.0.44.dev20260713+nightly
codegen_flags: <defaults>
</compile_context>

<pallas_src>
import jax
import jax.numpy as jnp
from jax import lax
from jax.experimental import pallas as pl
from jax.experimental.pallas import tpu as pltpu
from jax.experimental.pallas import tpu_sc as plsc

EMB_DIM = 32
BATCH_N = 16384
_NC, _NS = 2, 16
_NW = _NC * _NS
_BPW = BATCH_N // _NW
_BB = 4096
_JB = 32768
_SB = _JB // 4


def _cdiv(a, b):
    return (a + b - 1) // b


def _repack_body(x_ref, y_ref, ox_ref, oy_ref):
    for ref, oref in ((x_ref, ox_ref), (y_ref, oy_ref)):
        x = ref[...]
        x4 = jnp.concatenate(
            [x[:, a * _SB:(a + 1) * _SB] for a in range(4)],
            axis=0)
        oref[...] = jnp.transpose(x4)


def _repack2(mt_a, mt_b):
    n = mt_a.shape[1]
    grid = _cdiv(n, _JB)
    spec_in = pl.BlockSpec((EMB_DIM, _JB), lambda j: (0, j))
    spec_out = pl.BlockSpec((_SB, 128), lambda j: (j, 0))
    shape = jax.ShapeDtypeStruct((grid * _SB, 128), jnp.float32)
    return pl.pallas_call(
        _repack_body,
        grid=(grid,),
        in_specs=[spec_in, spec_in],
        out_specs=[spec_out, spec_out],
        out_shape=[shape, shape],
    )(mt_a, mt_b)


def _gather_body(n4_hbm, pa, pb, ga, gb, idx, buf, sem):
    wid = lax.axis_index("s") * _NC + lax.axis_index("c")
    base = wid * _BPW
    pltpu.sync_copy(n4_hbm.at[pl.ds(base, _BPW)], idx)
    for tbl, out in ((pa, ga), (pb, gb)):
        pltpu.async_copy(tbl.at[idx], buf, sem).wait()
        pltpu.sync_copy(buf, out.at[pl.ds(base, _BPW)])


def _sc_gather2(n4, pa, pb):
    row = jax.ShapeDtypeStruct((BATCH_N, 128), jnp.float32)
    mesh = plsc.VectorSubcoreMesh(core_axis_name="c", subcore_axis_name="s")
    return pl.kernel(
        _gather_body,
        out_type=(row, row),
        mesh=mesh,
        compiler_params=pltpu.CompilerParams(use_tc_tiling_on_sc=True),
        scratch_types=[
            pltpu.VMEM((_BPW,), jnp.int32),
            pltpu.VMEM((_BPW, 128), jnp.float32),
            pltpu.SemaphoreType.DMA,
        ],
    )(n4, pa, pb)


def _mlp_body(gug, gig, gum, gim, ku, ki,
              W0u4, W0i4, b0, W1, b1, W2, b2, W3, b3, Wpg4, Wph, bp, out):
    lane_blk = lax.broadcasted_iota(jnp.int32, (1, 128), 1) // EMB_DIM
    mu_v = (ku[...] == lane_blk).astype(jnp.float32)
    mi_v = (ki[...] == lane_blk).astype(jnp.float32)
    mm = lambda a, b: lax.dot_general(
        a, b, (((1,), (0,)), ((), ())), preferred_element_type=jnp.float32)
    h = jnp.maximum(
        mm(gum[...] * mu_v, W0u4[...]) + mm(gim[...] * mi_v, W0i4[...])
        + b0[...], 0.0)
    for W, b in ((W1, b1), (W2, b2), (W3, b3)):
        h = jnp.maximum(
            lax.dot_general(h, W[...], (((1,), (1,)), ((), ())),
                            preferred_element_type=jnp.float32) + b[...],
            0.0)
    mig = gig[...] * mi_v
    ig_rep = mm(mig, jnp.tile(jnp.eye(EMB_DIM, dtype=jnp.float32), (4, 4)))
    s = (gug[...] * mu_v) * ig_rep
    logits = (mm(s, Wpg4[...]) +
              lax.dot_general(h, Wph[...], (((1,), (1,)), ((), ())),
                              preferred_element_type=jnp.float32)
              + bp[...].reshape(1, 1))
    out[...] = jax.nn.sigmoid(logits)


def _tc_mlp(gug, gig, gum, gim, ku, ki,
            W0u4, W0i4, b0, W1, b1, W2, b2, W3, b3, Wpg4, Wph, bp,
            interpret=False):
    act = pl.BlockSpec((_BB, 128), lambda b: (b, 0))
    col = pl.BlockSpec((_BB, 1), lambda b: (b, 0))
    full2 = lambda a: pl.BlockSpec(a.shape, lambda b: (0,) * a.ndim)
    grid = BATCH_N // _BB
    return pl.pallas_call(
        _mlp_body,
        grid=(grid,),
        in_specs=[act, act, act, act, col, col,
                  full2(W0u4), full2(W0i4), full2(b0), full2(W1), full2(b1),
                  full2(W2), full2(b2), full2(W3), full2(b3),
                  full2(Wpg4), full2(Wph), full2(bp)],
        out_specs=pl.BlockSpec((_BB, 1), lambda b: (b, 0)),
        out_shape=jax.ShapeDtypeStruct((BATCH_N, 1), jnp.float32),
        interpret=interpret,
    )(gug, gig, gum, gim, ku, ki,
      W0u4, W0i4, b0, W1, b1, W2, b2, W3, b3, Wpg4, Wph, bp)


def kernel(u, i, user_gmf, item_gmf, user_mlp, item_mlp,
           W0, b0, W1, b1, W2, b2, W3, b3, Wp, bp):
    u = u.astype(jnp.int32)
    i = i.astype(jnp.int32)
    u4 = (u // _JB) * _SB + (u % _SB)
    i4 = (i // _JB) * _SB + (i % _SB)
    ku = ((u % _JB) // _SB).reshape(BATCH_N, 1)
    ki = ((i % _JB) // _SB).reshape(BATCH_N, 1)
    W0u4 = jnp.tile(W0[:, :EMB_DIM].T, (4, 1))
    W0i4 = jnp.tile(W0[:, EMB_DIM:].T, (4, 1))
    Wpg4 = jnp.tile(Wp[:, :EMB_DIM].T, (4, 1))
    Wph = Wp[:, EMB_DIM:]
    pug, pum = _repack2(user_gmf.T, user_mlp.T)
    gug, gum = _sc_gather2(u4, pug, pum)
    pig, pim = _repack2(item_gmf.T, item_mlp.T)
    gig, gim = _sc_gather2(i4, pig, pim)
    out = _tc_mlp(gug, gig, gum, gim, ku, ki,
                  W0u4, W0i4, b0, W1, b1, W2, b2, W3, b3, Wpg4, Wph, bp)
    return jnp.squeeze(out, axis=-1)

# --- scband reference (transcript-rebuilt; emitter-appended) ---
"""Pipeline reference for scband-neu-cf-85040352460904 (READ-ONLY COPY).

The authoritative reference and input builder live on the scoring server;
editing this copy changes nothing except your own understanding.
"""

import jax, jax.numpy as jnp
import numpy as np

N_USERS = 100000
N_ITEMS = 1000000
EMB = 32
LAYERS = (64, 32, 16, 8)
BATCH = 16384


def setup_inputs(seed: int = 0) -> dict:
    key = jax.random.key(seed)
    ks = jax.random.split(key, 16)
    inp = {}
    inp['u'] = jax.random.randint(ks[0], (BATCH,), 0, N_USERS, dtype=jnp.int64 if jax.config.jax_enable_x64 else jnp.int32)
    inp['i'] = jax.random.randint(ks[1], (BATCH,), 0, N_ITEMS, dtype=jnp.int64 if jax.config.jax_enable_x64 else jnp.int32)
    inp['user_gmf'] = jax.random.normal(ks[2], (N_USERS, EMB), dtype=jnp.float32) * 0.02
    inp['item_gmf'] = jax.random.normal(ks[3], (N_ITEMS, EMB), dtype=jnp.float32) * 0.02
    inp['user_mlp'] = jax.random.normal(ks[4], (N_USERS, EMB), dtype=jnp.float32) * 0.02
    inp['item_mlp'] = jax.random.normal(ks[5], (N_ITEMS, EMB), dtype=jnp.float32) * 0.02
    # MLP linear layers, torch convention W: [out, in]
    in_size = EMB * 2
    for li, l in enumerate(LAYERS):
        inp[f'W{li}'] = jax.random.normal(ks[6 + li], (l, in_size), dtype=jnp.float32) * (1.0 / np.sqrt(in_size))
        inp[f'b{li}'] = jnp.zeros((l,), dtype=jnp.float32)
        in_size = l
    inp['Wp'] = jax.random.normal(ks[12], (1, EMB + LAYERS[-1]), dtype=jnp.float32) * (1.0 / np.sqrt(EMB + LAYERS[-1]))
    inp['bp'] = jnp.zeros((1,), dtype=jnp.float32)
    return inp


def reference(u, i, user_gmf, item_gmf, user_mlp, item_mlp, W0, b0, W1, b1, W2, b2, W3, b3, Wp, bp):
    gmf_out = jnp.take(user_gmf, u, axis=0) * jnp.take(item_gmf, i, axis=0)
    h = jnp.concatenate([jnp.take(user_mlp, u, axis=0), jnp.take(item_mlp, i, axis=0)], axis=-1)
    for W, b in ((W0, b0), (W1, b1), (W2, b2), (W3, b3)):
        h = jax.nn.relu(h @ W.T + b)
    concat = jnp.concatenate([gmf_out, h], axis=-1)
    out = jax.nn.sigmoid(concat @ Wp.T + bp)
    return jnp.squeeze(out, axis=-1)

if __name__ == "__main__":
    import jax
    _d = setup_inputs()
    print(jax.jit(kernel)(*tuple(_d.values())))

</pallas_src>

<mosaic_0001>
#map = affine_map<(d0, d1) -> (0)>
#map1 = affine_map<(d0, d1) -> (0, 0)>
module attributes {stable_mosaic.version = 14 : i64} {
  func.func @_gather_body(%arg0: i32, %arg1: i32, %arg2: memref<16384xi32, #tpu.memory_space<hbm>>, %arg3: memref<32768x128xf32, #tpu.memory_space<hbm>>, %arg4: memref<32768x128xf32, #tpu.memory_space<hbm>>, %arg5: memref<16384x128xf32, #tpu.memory_space<hbm>>, %arg6: memref<16384x128xf32, #tpu.memory_space<hbm>>, %arg7: memref<512xi32, #tpu.memory_space<vmem>>, %arg8: memref<512x128xf32, #tpu.memory_space<vmem>>, %arg9: memref<!tpu.dma_semaphore, #tpu.memory_space<semaphore_mem>>) attributes {dimension_semantics = [#tpu.dimension_semantics<core_parallel>, #tpu.dimension_semantics<subcore_parallel>], iteration_bounds = array<i64: 2, 16>, scalar_prefetch = 0 : i64, scratch_operands = 3 : i64, tpu.core_type = #tpu.core_type<sc_vector_subcore>, window_params = [{transform_indices = #map}, {transform_indices = #map1}, {transform_indices = #map1}, {transform_indices = #map1}, {transform_indices = #map1}]} {
    %mul3A = arith.constant 2 : i32
    %mul3A_0 = arith.muli %arg1, %mul3A : i32
    %add3A = arith.addi %mul3A_0, %arg0 : i32
    %mul3A_1 = arith.constant 512 : i32
    %mul3A_2 = arith.muli %add3A, %mul3A_1 : i32
    "tpu.region"() ({
      %run_scoped3A = tpu.sem_alloc : memref<!tpu.dma_semaphore, #tpu.memory_space<semaphore_mem>>
      %dma_start3A_13 = tpu.memref_slice %arg2[%mul3A_2] : memref<16384xi32, #tpu.memory_space<hbm>> -> memref<512xi32, #tpu.memory_space<hbm>>
      %dma_start3A_14 = tpu.memref_slice %arg2[%mul3A_2] : memref<16384xi32, #tpu.memory_space<hbm>> -> memref<512xi32, #tpu.memory_space<hbm>>
      tpu.enqueue_dma source(%dma_start3A_14 : memref<512xi32, #tpu.memory_space<hbm>>) target(%arg7 : memref<512xi32, #tpu.memory_space<vmem>>) target_semaphore(%run_scoped3A : memref<!tpu.dma_semaphore, #tpu.memory_space<semaphore_mem>>)
      %dma_wait3A_15 = tpu.memref_slice %arg2[%mul3A_2] : memref<16384xi32, #tpu.memory_space<hbm>> -> memref<512xi32, #tpu.memory_space<hbm>>
      %dma_wait3A_16 = tpu.memref_slice %arg2[%mul3A_2] : memref<16384xi32, #tpu.memory_space<hbm>> -> memref<512xi32, #tpu.memory_space<hbm>>
      tpu.wait_dma2 semaphore(%run_scoped3A : memref<!tpu.dma_semaphore, #tpu.memory_space<semaphore_mem>>) src(%dma_wait3A_16 : memref<512xi32, #tpu.memory_space<hbm>>) dst(%arg7 : memref<512xi32, #tpu.memory_space<vmem>>)
      tpu.yield
    }) : () -> ()
    %dma_start3A = arith.constant 0 : i32
    %dma_start3A_3 = arith.constant 0 : i32
    %dma_start3A_4 = tpu.memref_slice %arg3[%dma_start3A, %dma_start3A_3] : memref<32768x128xf32, #tpu.memory_space<hbm>> -> memref<32768x128xf32, #tpu.memory_space<hbm>>
    tpu.enqueue_indirect_dma source(%dma_start3A_4 : memref<32768x128xf32, #tpu.memory_space<hbm>>) target(%arg8 : memref<512x128xf32, #tpu.memory_space<vmem>>) offsets(%arg7 : memref<512xi32, #tpu.memory_space<vmem>>) semaphore(%arg9 : memref<!tpu.dma_semaphore, #tpu.memory_space<semaphore_mem>>)
    %dma_wait3A = arith.constant 0 : i32
    %dma_wait3A_5 = arith.constant 0 : i32
    %dma_wait3A_6 = tpu.memref_slice %arg3[%dma_wait3A, %dma_wait3A_5] : memref<32768x128xf32, #tpu.memory_space<hbm>> -> memref<32768x128xf32, #tpu.memory_space<hbm>>
    tpu.wait_indirect_dma semaphore(%arg9 : memref<!tpu.dma_semaphore, #tpu.memory_space<semaphore_mem>>) src(%dma_wait3A_6 : memref<32768x128xf32, #tpu.memory_space<hbm>>) dst(%arg8 : memref<512x128xf32, #tpu.memory_space<vmem>>)
    "tpu.region"() ({
      %run_scoped3A = tpu.sem_alloc : memref<!tpu.dma_semaphore, #tpu.memory_space<semaphore_mem>>
      %dma_start3A_13 = arith.constant 0 : i32
      %dma_start3A_14 = tpu.memref_slice %arg5[%mul3A_2, %dma_start3A_13] : memref<16384x128xf32, #tpu.memory_space<hbm>> -> memref<512x128xf32, #tpu.memory_space<hbm>>
      %dma_start3A_15 = arith.constant 0 : i32
      %dma_start3A_16 = tpu.memref_slice %arg5[%mul3A_2, %dma_start3A_15] : memref<16384x128xf32, #tpu.memory_space<hbm>> -> memref<512x128xf32, #tpu.memory_space<hbm>>
      tpu.enqueue_dma source(%arg8 : memref<512x128xf32, #tpu.memory_space<vmem>>) target(%dma_start3A_16 : memref<512x128xf32, #tpu.memory_space<hbm>>) target_semaphore(%run_scoped3A : memref<!tpu.dma_semaphore, #tpu.memory_space<semaphore_mem>>)
      %dma_wait3A_17 = arith.constant 0 : i32
      %dma_wait3A_18 = tpu.memref_slice %arg5[%mul3A_2, %dma_wait3A_17] : memref<16384x128xf32, #tpu.memory_space<hbm>> -> memref<512x128xf32, #tpu.memory_space<hbm>>
      %dma_wait3A_19 = arith.constant 0 : i32
      %dma_wait3A_20 = tpu.memref_slice %arg5[%mul3A_2, %dma_wait3A_19] : memref<16384x128xf32, #tpu.memory_space<hbm>> -> memref<512x128xf32, #tpu.memory_space<hbm>>
      tpu.wait_dma2 semaphore(%run_scoped3A : memref<!tpu.dma_semaphore, #tpu.memory_space<semaphore_mem>>) src(%arg8 : memref<512x128xf32, #tpu.memory_space<vmem>>) dst(%dma_wait3A_20 : memref<512x128xf32, #tpu.memory_space<hbm>>)
      tpu.yield
    }) : () -> ()
    %dma_start3A_7 = arith.constant 0 : i32
    %dma_start3A_8 = arith.constant 0 : i32
    %dma_start3A_9 = tpu.memref_slice %arg4[%dma_start3A_7, %dma_start3A_8] : memref<32768x128xf32, #tpu.memory_space<hbm>> -> memref<32768x128xf32, #tpu.memory_space<hbm>>
    tpu.enqueue_indirect_dma source(%dma_start3A_9 : memref<32768x128xf32, #tpu.memory_space<hbm>>) target(%arg8 : memref<512x128xf32, #tpu.memory_space<vmem>>) offsets(%arg7 : memref<512xi32, #tpu.memory_space<vmem>>) semaphore(%arg9 : memref<!tpu.dma_semaphore, #tpu.memory_space<semaphore_mem>>)
    %dma_wait3A_10 = arith.constant 0 : i32
    %dma_wait3A_11 = arith.constant 0 : i32
    %dma_wait3A_12 = tpu.memref_slice %arg4[%dma_wait3A_10, %dma_wait3A_11] : memref<32768x128xf32, #tpu.memory_space<hbm>> -> memref<32768x128xf32, #tpu.memory_space<hbm>>
    tpu.wait_indirect_dma semaphore(%arg9 : memref<!tpu.dma_semaphore, #tpu.memory_space<semaphore_mem>>) src(%dma_wait3A_12 : memref<32768x128xf32, #tpu.memory_space<hbm>>) dst(%arg8 : memref<512x128xf32, #tpu.memory_space<vmem>>)
    "tpu.region"() ({
      %run_scoped3A = tpu.sem_alloc : memref<!tpu.dma_semaphore, #tpu.memory_space<semaphore_mem>>
      %dma_start3A_13 = arith.constant 0 : i32
      %dma_start3A_14 = tpu.memref_slice %arg6[%mul3A_2, %dma_start3A_13] : memref<16384x128xf32, #tpu.memory_space<hbm>> -> memref<512x128xf32, #tpu.memory_space<hbm>>
      %dma_start3A_15 = arith.constant 0 : i32
      %dma_start3A_16 = tpu.memref_slice %arg6[%mul3A_2, %dma_start3A_15] : memref<16384x128xf32, #tpu.memory_space<hbm>> -> memref<512x128xf32, #tpu.memory_space<hbm>>
      tpu.enqueue_dma source(%arg8 : memref<512x128xf32, #tpu.memory_space<vmem>>) target(%dma_start3A_16 : memref<512x128xf32, #tpu.memory_space<hbm>>) target_semaphore(%run_scoped3A : memref<!tpu.dma_semaphore, #tpu.memory_space<semaphore_mem>>)
      %dma_wait3A_17 = arith.constant 0 : i32
      %dma_wait3A_18 = tpu.memref_slice %arg6[%mul3A_2, %dma_wait3A_17] : memref<16384x128xf32, #tpu.memory_space<hbm>> -> memref<512x128xf32, #tpu.memory_space<hbm>>
      %dma_wait3A_19 = arith.constant 0 : i32
      %dma_wait3A_20 = tpu.memref_slice %arg6[%mul3A_2, %dma_wait3A_19] : memref<16384x128xf32, #tpu.memory_space<hbm>> -> memref<512x128xf32, #tpu.memory_space<hbm>>
      tpu.wait_dma2 semaphore(%run_scoped3A : memref<!tpu.dma_semaphore, #tpu.memory_space<semaphore_mem>>) src(%arg8 : memref<512x128xf32, #tpu.memory_space<vmem>>) dst(%dma_wait3A_20 : memref<512x128xf32, #tpu.memory_space<hbm>>)
      tpu.yield
    }) : () -> ()
    return
  }
}

#map = affine_map<(d0, d1) -> (0)>
#map1 = affine_map<(d0, d1) -> (0, 0)>
module attributes {stable_mosaic.version = 14 : i64} {
  func.func @_gather_body(%arg0: i32, %arg1: i32, %arg2: memref<16384xi32, #tpu.memory_space<hbm>>, %arg3: memref<253952x128xf32, #tpu.memory_space<hbm>>, %arg4: memref<253952x128xf32, #tpu.memory_space<hbm>>, %arg5: memref<16384x128xf32, #tpu.memory_space<hbm>>, %arg6: memref<16384x128xf32, #tpu.memory_space<hbm>>, %arg7: memref<512xi32, #tpu.memory_space<vmem>>, %arg8: memref<512x128xf32, #tpu.memory_space<vmem>>, %arg9: memref<!tpu.dma_semaphore, #tpu.memory_space<semaphore_mem>>) attributes {dimension_semantics = [#tpu.dimension_semantics<core_parallel>, #tpu.dimension_semantics<subcore_parallel>], iteration_bounds = array<i64: 2, 16>, scalar_prefetch = 0 : i64, scratch_operands = 3 : i64, tpu.core_type = #tpu.core_type<sc_vector_subcore>, window_params = [{transform_indices = #map}, {transform_indices = #map1}, {transform_indices = #map1}, {transform_indices = #map1}, {transform_indices = #map1}]} {
    %mul3A = arith.constant 2 : i32
    %mul3A_0 = arith.muli %arg1, %mul3A : i32
    %add3A = arith.addi %mul3A_0, %arg0 : i32
    %mul3A_1 = arith.constant 512 : i32
    %mul3A_2 = arith.muli %add3A, %mul3A_1 : i32
    "tpu.region"() ({
      %run_scoped3A = tpu.sem_alloc : memref<!tpu.dma_semaphore, #tpu.memory_space<semaphore_mem>>
      %dma_start3A_13 = tpu.memref_slice %arg2[%mul3A_2] : memref<16384xi32, #tpu.memory_space<hbm>> -> memref<512xi32, #tpu.memory_space<hbm>>
      %dma_start3A_14 = tpu.memref_slice %arg2[%mul3A_2] : memref<16384xi32, #tpu.memory_space<hbm>> -> memref<512xi32, #tpu.memory_space<hbm>>
      tpu.enqueue_dma source(%dma_start3A_14 : memref<512xi32, #tpu.memory_space<hbm>>) target(%arg7 : memref<512xi32, #tpu.memory_space<vmem>>) target_semaphore(%run_scoped3A : memref<!tpu.dma_semaphore, #tpu.memory_space<semaphore_mem>>)
      %dma_wait3A_15 = tpu.memref_slice %arg2[%mul3A_2] : memref<16384xi32, #tpu.memory_space<hbm>> -> memref<512xi32, #tpu.memory_space<hbm>>
      %dma_wait3A_16 = tpu.memref_slice %arg2[%mul3A_2] : memref<16384xi32, #tpu.memory_space<hbm>> -> memref<512xi32, #tpu.memory_space<hbm>>
      tpu.wait_dma2 semaphore(%run_scoped3A : memref<!tpu.dma_semaphore, #tpu.memory_space<semaphore_mem>>) src(%dma_wait3A_16 : memref<512xi32, #tpu.memory_space<hbm>>) dst(%arg7 : memref<512xi32, #tpu.memory_space<vmem>>)
      tpu.yield
    }) : () -> ()
    %dma_start3A = arith.constant 0 : i32
    %dma_start3A_3 = arith.constant 0 : i32
    %dma_start3A_4 = tpu.memref_slice %arg3[%dma_start3A, %dma_start3A_3] : memref<253952x128xf32, #tpu.memory_space<hbm>> -> memref<253952x128xf32, #tpu.memory_space<hbm>>
    tpu.enqueue_indirect_dma source(%dma_start3A_4 : memref<253952x128xf32, #tpu.memory_space<hbm>>) target(%arg8 : memref<512x128xf32, #tpu.memory_space<vmem>>) offsets(%arg7 : memref<512xi32, #tpu.memory_space<vmem>>) semaphore(%arg9 : memref<!tpu.dma_semaphore, #tpu.memory_space<semaphore_mem>>)
    %dma_wait3A = arith.constant 0 : i32
    %dma_wait3A_5 = arith.constant 0 : i32
    %dma_wait3A_6 = tpu.memref_slice %arg3[%dma_wait3A, %dma_wait3A_5] : memref<253952x128xf32, #tpu.memory_space<hbm>> -> memref<253952x128xf32, #tpu.memory_space<hbm>>
    tpu.wait_indirect_dma semaphore(%arg9 : memref<!tpu.dma_semaphore, #tpu.memory_space<semaphore_mem>>) src(%dma_wait3A_6 : memref<253952x128xf32, #tpu.memory_space<hbm>>) dst(%arg8 : memref<512x128xf32, #tpu.memory_space<vmem>>)
    "tpu.region"() ({
      %run_scoped3A = tpu.sem_alloc : memref<!tpu.dma_semaphore, #tpu.memory_space<semaphore_mem>>
      %dma_start3A_13 = arith.constant 0 : i32
      %dma_start3A_14 = tpu.memref_slice %arg5[%mul3A_2, %dma_start3A_13] : memref<16384x128xf32, #tpu.memory_space<hbm>> -> memref<512x128xf32, #tpu.memory_space<hbm>>
      %dma_start3A_15 = arith.constant 0 : i32
      %dma_start3A_16 = tpu.memref_slice %arg5[%mul3A_2, %dma_start3A_15] : memref<16384x128xf32, #tpu.memory_space<hbm>> -> memref<512x128xf32, #tpu.memory_space<hbm>>
      tpu.enqueue_dma source(%arg8 : memref<512x128xf32, #tpu.memory_space<vmem>>) target(%dma_start3A_16 : memref<512x128xf32, #tpu.memory_space<hbm>>) target_semaphore(%run_scoped3A : memref<!tpu.dma_semaphore, #tpu.memory_space<semaphore_mem>>)
      %dma_wait3A_17 = arith.constant 0 : i32
      %dma_wait3A_18 = tpu.memref_slice %arg5[%mul3A_2, %dma_wait3A_17] : memref<16384x128xf32, #tpu.memory_space<hbm>> -> memref<512x128xf32, #tpu.memory_space<hbm>>
      %dma_wait3A_19 = arith.constant 0 : i32
      %dma_wait3A_20 = tpu.memref_slice %arg5[%mul3A_2, %dma_wait3A_19] : memref<16384x128xf32, #tpu.memory_space<hbm>> -> memref<512x128xf32, #tpu.memory_space<hbm>>
      tpu.wait_dma2 semaphore(%run_scoped3A : memref<!tpu.dma_semaphore, #tpu.memory_space<semaphore_mem>>) src(%arg8 : memref<512x128xf32, #tpu.memory_space<vmem>>) dst(%dma_wait3A_20 : memref<512x128xf32, #tpu.memory_space<hbm>>)
      tpu.yield
    }) : () -> ()
    %dma_start3A_7 = arith.constant 0 : i32
    %dma_start3A_8 = arith.constant 0 : i32
    %dma_start3A_9 = tpu.memref_slice %arg4[%dma_start3A_7, %dma_start3A_8] : memref<253952x128xf32, #tpu.memory_space<hbm>> -> memref<253952x128xf32, #tpu.memory_space<hbm>>
    tpu.enqueue_indirect_dma source(%dma_start3A_9 : memref<253952x128xf32, #tpu.memory_space<hbm>>) target(%arg8 : memref<512x128xf32, #tpu.memory_space<vmem>>) offsets(%arg7 : memref<512xi32, #tpu.memory_space<vmem>>) semaphore(%arg9 : memref<!tpu.dma_semaphore, #tpu.memory_space<semaphore_mem>>)
    %dma_wait3A_10 = arith.constant 0 : i32
    %dma_wait3A_11 = arith.constant 0 : i32
    %dma_wait3A_12 = tpu.memref_slice %arg4[%dma_wait3A_10, %dma_wait3A_11] : memref<253952x128xf32, #tpu.memory_space<hbm>> -> memref<253952x128xf32, #tpu.memory_space<hbm>>
    tpu.wait_indirect_dma semaphore(%arg9 : memref<!tpu.dma_semaphore, #tpu.memory_space<semaphore_mem>>) src(%dma_wait3A_12 : memref<253952x128xf32, #tpu.memory_space<hbm>>) dst(%arg8 : memref<512x128xf32, #tpu.memory_space<vmem>>)
    "tpu.region"() ({
      %run_scoped3A = tpu.sem_alloc : memref<!tpu.dma_semaphore, #tpu.memory_space<semaphore_mem>>
      %dma_start3A_13 = arith.constant 0 : i32
      %dma_start3A_14 = tpu.memref_slice %arg6[%mul3A_2, %dma_start3A_13] : memref<16384x128xf32, #tpu.memory_space<hbm>> -> memref<512x128xf32, #tpu.memory_space<hbm>>
      %dma_start3A_15 = arith.constant 0 : i32
      %dma_start3A_16 = tpu.memref_slice %arg6[%mul3A_2, %dma_start3A_15] : memref<16384x128xf32, #tpu.memory_space<hbm>> -> memref<512x128xf32, #tpu.memory_space<hbm>>
      tpu.enqueue_dma source(%arg8 : memref<512x128xf32, #tpu.memory_space<vmem>>) target(%dma_start3A_16 : memref<512x128xf32, #tpu.memory_space<hbm>>) target_semaphore(%run_scoped3A : memref<!tpu.dma_semaphore, #tpu.memory_space<semaphore_mem>>)
      %dma_wait3A_17 = arith.constant 0 : i32
      %dma_wait3A_18 = tpu.memref_slice %arg6[%mul3A_2, %dma_wait3A_17] : memref<16384x128xf32, #tpu.memory_space<hbm>> -> memref<512x128xf32, #tpu.memory_space<hbm>>
      %dma_wait3A_19 = arith.constant 0 : i32
      %dma_wait3A_20 = tpu.memref_slice %arg6[%mul3A_2, %dma_wait3A_19] : memref<16384x128xf32, #tpu.memory_space<hbm>> -> memref<512x128xf32, #tpu.memory_space<hbm>>
      tpu.wait_dma2 semaphore(%run_scoped3A : memref<!tpu.dma_semaphore, #tpu.memory_space<semaphore_mem>>) src(%arg8 : memref<512x128xf32, #tpu.memory_space<vmem>>) dst(%dma_wait3A_20 : memref<512x128xf32, #tpu.memory_space<hbm>>)
      tpu.yield
    }) : () -> ()
    return
  }
}

module attributes {stable_mosaic.version = 14 : i64} {
  func.func @_repack_body(%arg0: i32, %arg1: memref<32x32768xf32, #tpu.memory_space<vmem>>, %arg2: memref<32x32768xf32, #tpu.memory_space<vmem>>, %arg3: memref<8192x128xf32, #tpu.memory_space<vmem>>, %arg4: memref<8192x128xf32, #tpu.memory_space<vmem>>) attributes {dimension_semantics = [#tpu.dimension_semantics<arbitrary>], iteration_bounds = array<i64: 4>, scalar_prefetch = 0 : i64, scratch_operands = 0 : i64, tpu.core_type = #tpu.core_type<tc>, window_params = [{transform_indices = @transform_0, window_bounds = array<i64: 32, 32768>}, {transform_indices = @transform_1, window_bounds = array<i64: 32, 32768>}, {transform_indices = @transform_2, window_bounds = array<i64: 8192, 128>}, {transform_indices = @transform_3, window_bounds = array<i64: 8192, 128>}]} {
    %get3A = arith.constant 0 : index
    %get3A_0 = arith.constant 0 : index
    %get3A_1 = vector.load %arg1[%get3A, %get3A_0] : memref<32x32768xf32, #tpu.memory_space<vmem>>, vector<32x32768xf32>
    %slice3A = vector.extract_strided_slice %get3A_1 {offsets = [0, 0], sizes = [32, 8192], strides = [1, 1]} : vector<32x32768xf32> to vector<32x8192xf32>
    %slice3A_2 = vector.extract_strided_slice %get3A_1 {offsets = [0, 8192], sizes = [32, 8192], strides = [1, 1]} : vector<32x32768xf32> to vector<32x8192xf32>
    %slice3A_3 = vector.extract_strided_slice %get3A_1 {offsets = [0, 16384], sizes = [32, 8192], strides = [1, 1]} : vector<32x32768xf32> to vector<32x8192xf32>
    %slice3A_4 = vector.extract_strided_slice %get3A_1 {offsets = [0, 24576], sizes = [32, 8192], strides = [1, 1]} : vector<32x32768xf32> to vector<32x8192xf32>
    %concatenate3A = tpu.concatenate %slice3A, %slice3A_2, %slice3A_3, %slice3A_4 in 0 : vector<32x8192xf32>, vector<32x8192xf32>, vector<32x8192xf32>, vector<32x8192xf32> -> vector<128x8192xf32>
    %transpose3A = tpu.transpose %concatenate3A, [1, 0] : vector<128x8192xf32> -> vector<8192x128xf32>
    %swap3A = arith.constant 0 : index
    %swap3A_5 = arith.constant 0 : index
    %swap3A_6 = vector.load %arg3[%swap3A, %swap3A_5] : memref<8192x128xf32, #tpu.memory_space<vmem>>, vector<8192x128xf32>
    tpu.vector_store %arg3[%swap3A, %swap3A_5], %transpose3A {strides = array<i32>} : memref<8192x128xf32, #tpu.memory_space<vmem>>, vector<8192x128xf32>,
    %get3A_7 = arith.constant 0 : index
    %get3A_8 = arith.constant 0 : index
    %get3A_9 = vector.load %arg2[%get3A_7, %get3A_8] : memref<32x32768xf32, #tpu.memory_space<vmem>>, vector<32x32768xf32>
    %slice3A_10 = vector.extract_strided_slice %get3A_9 {offsets = [0, 0], sizes = [32, 8192], strides = [1, 1]} : vector<32x32768xf32> to vector<32x8192xf32>
    %slice3A_11 = vector.extract_strided_slice %get3A_9 {offsets = [0, 8192], sizes = [32, 8192], strides = [1, 1]} : vector<32x32768xf32> to vector<32x8192xf32>
    %slice3A_12 = vector.extract_strided_slice %get3A_9 {offsets = [0, 16384], sizes = [32, 8192], strides = [1, 1]} : vector<32x32768xf32> to vector<32x8192xf32>
    %slice3A_13 = vector.extract_strided_slice %get3A_9 {offsets = [0, 24576], sizes = [32, 8192], strides = [1, 1]} : vector<32x32768xf32> to vector<32x8192xf32>
    %concatenate3A_14 = tpu.concatenate %slice3A_10, %slice3A_11, %slice3A_12, %slice3A_13 in 0 : vector<32x8192xf32>, vector<32x8192xf32>, vector<32x8192xf32>, vector<32x8192xf32> -> vector<128x8192xf32>
    %transpose3A_15 = tpu.transpose %concatenate3A_14, [1, 0] : vector<128x8192xf32> -> vector<8192x128xf32>
    %swap3A_16 = arith.constant 0 : index
    %swap3A_17 = arith.constant 0 : index
    %swap3A_18 = vector.load %arg4[%swap3A_16, %swap3A_17] : memref<8192x128xf32, #tpu.memory_space<vmem>>, vector<8192x128xf32>
    tpu.vector_store %arg4[%swap3A_16, %swap3A_17], %transpose3A_15 {strides = array<i32>} : memref<8192x128xf32, #tpu.memory_space<vmem>>, vector<8192x128xf32>,
    return
  }
  func.func @transform_0(%arg0: i32) -> (i32, i32) {
    %c0_i32 = arith.constant 0 : i32
    %c0_i32_0 = arith.constant 0 : i32
    return %c0_i32, %arg0 : i32, i32
  }
  func.func @transform_1(%arg0: i32) -> (i32, i32) {
    %c0_i32 = arith.constant 0 : i32
    %c0_i32_0 = arith.constant 0 : i32
    return %c0_i32, %arg0 : i32, i32
  }
  func.func @transform_2(%arg0: i32) -> (i32, i32) {
    %c0_i32 = arith.constant 0 : i32
    %c0_i32_0 = arith.constant 0 : i32
    return %arg0, %c0_i32 : i32, i32
  }
  func.func @transform_3(%arg0: i32) -> (i32, i32) {
    %c0_i32 = arith.constant 0 : i32
    %c0_i32_0 = arith.constant 0 : i32
    return %arg0, %c0_i32 : i32, i32
  }
}

module attributes {stable_mosaic.version = 14 : i64} {
  func.func @_repack_body(%arg0: i32, %arg1: memref<32x32768xf32, #tpu.memory_space<vmem>>, %arg2: memref<32x32768xf32, #tpu.memory_space<vmem>>, %arg3: memref<8192x128xf32, #tpu.memory_space<vmem>>, %arg4: memref<8192x128xf32, #tpu.memory_space<vmem>>) attributes {dimension_semantics = [#tpu.dimension_semantics<arbitrary>], iteration_bounds = array<i64: 31>, scalar_prefetch = 0 : i64, scratch_operands = 0 : i64, tpu.core_type = #tpu.core_type<tc>, window_params = [{transform_indices = @transform_0, window_bounds = array<i64: 32, 32768>}, {transform_indices = @transform_1, window_bounds = array<i64: 32, 32768>}, {transform_indices = @transform_2, window_bounds = array<i64: 8192, 128>}, {transform_indices = @transform_3, window_bounds = array<i64: 8192, 128>}]} {
    %get3A = arith.constant 0 : index
    %get3A_0 = arith.constant 0 : index
    %get3A_1 = vector.load %arg1[%get3A, %get3A_0] : memref<32x32768xf32, #tpu.memory_space<vmem>>, vector<32x32768xf32>
    %slice3A = vector.extract_strided_slice %get3A_1 {offsets = [0, 0], sizes = [32, 8192], strides = [1, 1]} : vector<32x32768xf32> to vector<32x8192xf32>
    %slice3A_2 = vector.extract_strided_slice %get3A_1 {offsets = [0, 8192], sizes = [32, 8192], strides = [1, 1]} : vector<32x32768xf32> to vector<32x8192xf32>
    %slice3A_3 = vector.extract_strided_slice %get3A_1 {offsets = [0, 16384], sizes = [32, 8192], strides = [1, 1]} : vector<32x32768xf32> to vector<32x8192xf32>
    %slice3A_4 = vector.extract_strided_slice %get3A_1 {offsets = [0, 24576], sizes = [32, 8192], strides = [1, 1]} : vector<32x32768xf32> to vector<32x8192xf32>
    %concatenate3A = tpu.concatenate %slice3A, %slice3A_2, %slice3A_3, %slice3A_4 in 0 : vector<32x8192xf32>, vector<32x8192xf32>, vector<32x8192xf32>, vector<32x8192xf32> -> vector<128x8192xf32>
    %transpose3A = tpu.transpose %concatenate3A, [1, 0] : vector<128x8192xf32> -> vector<8192x128xf32>
    %swap3A = arith.constant 0 : index
    %swap3A_5 = arith.constant 0 : index
    %swap3A_6 = vector.load %arg3[%swap3A, %swap3A_5] : memref<8192x128xf32, #tpu.memory_space<vmem>>, vector<8192x128xf32>
    tpu.vector_store %arg3[%swap3A, %swap3A_5], %transpose3A {strides = array<i32>} : memref<8192x128xf32, #tpu.memory_space<vmem>>, vector<8192x128xf32>,
    %get3A_7 = arith.constant 0 : index
    %get3A_8 = arith.constant 0 : index
    %get3A_9 = vector.load %arg2[%get3A_7, %get3A_8] : memref<32x32768xf32, #tpu.memory_space<vmem>>, vector<32x32768xf32>
    %slice3A_10 = vector.extract_strided_slice %get3A_9 {offsets = [0, 0], sizes = [32, 8192], strides = [1, 1]} : vector<32x32768xf32> to vector<32x8192xf32>
    %slice3A_11 = vector.extract_strided_slice %get3A_9 {offsets = [0, 8192], sizes = [32, 8192], strides = [1, 1]} : vector<32x32768xf32> to vector<32x8192xf32>
    %slice3A_12 = vector.extract_strided_slice %get3A_9 {offsets = [0, 16384], sizes = [32, 8192], strides = [1, 1]} : vector<32x32768xf32> to vector<32x8192xf32>
    %slice3A_13 = vector.extract_strided_slice %get3A_9 {offsets = [0, 24576], sizes = [32, 8192], strides = [1, 1]} : vector<32x32768xf32> to vector<32x8192xf32>
    %concatenate3A_14 = tpu.concatenate %slice3A_10, %slice3A_11, %slice3A_12, %slice3A_13 in 0 : vector<32x8192xf32>, vector<32x8192xf32>, vector<32x8192xf32>, vector<32x8192xf32> -> vector<128x8192xf32>
    %transpose3A_15 = tpu.transpose %concatenate3A_14, [1, 0] : vector<128x8192xf32> -> vector<8192x128xf32>
    %swap3A_16 = arith.constant 0 : index
    %swap3A_17 = arith.constant 0 : index
    %swap3A_18 = vector.load %arg4[%swap3A_16, %swap3A_17] : memref<8192x128xf32, #tpu.memory_space<vmem>>, vector<8192x128xf32>
    tpu.vector_store %arg4[%swap3A_16, %swap3A_17], %transpose3A_15 {strides = array<i32>} : memref<8192x128xf32, #tpu.memory_space<vmem>>, vector<8192x128xf32>,
    return
  }
  func.func @transform_0(%arg0: i32) -> (i32, i32) {
    %c0_i32 = arith.constant 0 : i32
    %c0_i32_0 = arith.constant 0 : i32
    return %c0_i32, %arg0 : i32, i32
  }
  func.func @transform_1(%arg0: i32) -> (i32, i32) {
    %c0_i32 = arith.constant 0 : i32
    %c0_i32_0 = arith.constant 0 : i32
    return %c0_i32, %arg0 : i32, i32
  }
  func.func @transform_2(%arg0: i32) -> (i32, i32) {
    %c0_i32 = arith.constant 0 : i32
    %c0_i32_0 = arith.constant 0 : i32
    return %arg0, %c0_i32 : i32, i32
  }
  func.func @transform_3(%arg0: i32) -> (i32, i32) {
    %c0_i32 = arith.constant 0 : i32
    %c0_i32_0 = arith.constant 0 : i32
    return %arg0, %c0_i32 : i32, i32
  }
}

module attributes {stable_mosaic.version = 14 : i64} {
  func.func @_mlp_body(%arg0: i32, %arg1: memref<4096x128xf32, #tpu.memory_space<vmem>>, %arg2: memref<4096x128xf32, #tpu.memory_space<vmem>>, %arg3: memref<4096x128xf32, #tpu.memory_space<vmem>>, %arg4: memref<4096x128xf32, #tpu.memory_space<vmem>>, %arg5: memref<4096x1xi32, #tpu.memory_space<vmem>>, %arg6: memref<4096x1xi32, #tpu.memory_space<vmem>>, %arg7: memref<128x64xf32, #tpu.memory_space<vmem>>, %arg8: memref<128x64xf32, #tpu.memory_space<vmem>>, %arg9: memref<64xf32, #tpu.memory_space<vmem>>, %arg10: memref<32x64xf32, #tpu.memory_space<vmem>>, %arg11: memref<32xf32, #tpu.memory_space<vmem>>, %arg12: memref<16x32xf32, #tpu.memory_space<vmem>>, %arg13: memref<16xf32, #tpu.memory_space<vmem>>, %arg14: memref<8x16xf32, #tpu.memory_space<vmem>>, %arg15: memref<8xf32, #tpu.memory_space<vmem>>, %arg16: memref<128x1xf32, #tpu.memory_space<vmem>>, %arg17: memref<1x8xf32, #tpu.memory_space<vmem>>, %arg18: memref<1xf32, #tpu.memory_space<vmem>>, %arg19: memref<4096x1xf32, #tpu.memory_space<vmem>>) attributes {dimension_semantics = [#tpu.dimension_semantics<arbitrary>], iteration_bounds = array<i64: 4>, scalar_prefetch = 0 : i64, scratch_operands = 0 : i64, tpu.core_type = #tpu.core_type<tc>, window_params = [{transform_indices = @transform_0, window_bounds = array<i64: 4096, 128>}, {transform_indices = @transform_1, window_bounds = array<i64: 4096, 128>}, {transform_indices = @transform_2, window_bounds = array<i64: 4096, 128>}, {transform_indices = @transform_3, window_bounds = array<i64: 4096, 128>}, {transform_indices = @transform_4, window_bounds = array<i64: 4096, 1>}, {transform_indices = @transform_5, window_bounds = array<i64: 4096, 1>}, {pipeline_mode = #tpu.pipeline_mode<synchronous>, transform_indices = @transform_6, window_bounds = array<i64: 128, 64>}, {pipeline_mode = #tpu.pipeline_mode<synchronous>, transform_indices = @transform_7, window_bounds = array<i64: 128, 64>}, {pipeline_mode = #tpu.pipeline_mode<synchronous>, transform_indices = @transform_8, window_bounds = array<i64: 64>}, {pipeline_mode = #tpu.pipeline_mode<synchronous>, transform_indices = @transform_9, window_bounds = array<i64: 32, 64>}, {pipeline_mode = #tpu.pipeline_mode<synchronous>, transform_indices = @transform_10, window_bounds = array<i64: 32>}, {pipeline_mode = #tpu.pipeline_mode<synchronous>, transform_indices = @transform_11, window_bounds = array<i64: 16, 32>}, {pipeline_mode = #tpu.pipeline_mode<synchronous>, transform_indices = @transform_12, window_bounds = array<i64: 16>}, {pipeline_mode = #tpu.pipeline_mode<synchronous>, transform_indices = @transform_13, window_bounds = array<i64: 8, 16>}, {pipeline_mode = #tpu.pipeline_mode<synchronous>, transform_indices = @transform_14, window_bounds = array<i64: 8>}, {pipeline_mode = #tpu.pipeline_mode<synchronous>, transform_indices = @transform_15, window_bounds = array<i64: 128, 1>}, {pipeline_mode = #tpu.pipeline_mode<synchronous>, transform_indices = @transform_16, window_bounds = array<i64: 1, 8>}, {pipeline_mode = #tpu.pipeline_mode<synchronous>, transform_indices = @transform_17, window_bounds = array<i64: 1>}, {transform_indices = @transform_18, window_bounds = array<i64: 4096, 1>}]} {
    %iota3A = tpu.iota {dimensions = array<i32: 1>} : vector<1x128xi32>
    %jit3A = arith.constant 32 : i32
    %div3A = vector.broadcast %jit3A : i32 to vector<1x128xi32>
    %div3A_0 = arith.divsi %iota3A, %div3A : vector<1x128xi32>
    %sign3A = arith.constant 0 : i32
    %sign3A_1 = vector.broadcast %sign3A : i32 to vector<1x128xi32>
    %sign3A_2 = arith.cmpi sgt, %iota3A, %sign3A_1 : vector<1x128xi32>
    %sign3A_3 = arith.extui %sign3A_2 : vector<1x128xi1> to vector<1x128xi32>
    %sign3A_4 = arith.constant 0 : i32
    %sign3A_5 = vector.broadcast %sign3A_4 : i32 to vector<1x128xi32>
    %sign3A_6 = arith.cmpi slt, %iota3A, %sign3A_5 : vector<1x128xi32>
    %sign3A_7 = arith.extui %sign3A_6 : vector<1x128xi1> to vector<1x128xi32>
    %sign3A_8 = arith.subi %sign3A_3, %sign3A_7 : vector<1x128xi32>
    %sign3A_9 = arith.constant 0 : i32
    %sign3A_10 = arith.cmpi sgt, %jit3A, %sign3A_9 : i32
    %sign3A_11 = arith.extui %sign3A_10 : i1 to i32
    %sign3A_12 = arith.constant 0 : i32
    %sign3A_13 = arith.cmpi slt, %jit3A, %sign3A_12 : i32
    %sign3A_14 = arith.extui %sign3A_13 : i1 to i32
    %sign3A_15 = arith.subi %sign3A_11, %sign3A_14 : i32
    %ne3A = vector.broadcast %sign3A_15 : i32 to vector<1x128xi32>
    %ne3A_16 = arith.cmpi ne, %sign3A_8, %ne3A : vector<1x128xi32>
    %rem3A = vector.broadcast %jit3A : i32 to vector<1x128xi32>
    %rem3A_17 = arith.remsi %iota3A, %rem3A : vector<1x128xi32>
    %ne3A_18 = arith.constant 0 : i32
    %ne3A_19 = vector.broadcast %ne3A_18 : i32 to vector<1x128xi32>
    %ne3A_20 = arith.cmpi ne, %rem3A_17, %ne3A_19 : vector<1x128xi32>
    %and3A = arith.andi %ne3A_16, %ne3A_20 : vector<1x128xi1>
    %sub3A = arith.constant 1 : i32
    %sub3A_21 = vector.broadcast %sub3A : i32 to vector<1x128xi32>
    %sub3A_22 = arith.subi %div3A_0, %sub3A_21 : vector<1x128xi32>
    %select_n3A = arith.select %and3A, %sub3A_22, %div3A_0 : vector<1x128xi1>, vector<1x128xi32>
    %get3A = arith.constant 0 : index
    %get3A_23 = arith.constant 0 : index
    %get3A_24 = vector.load %arg5[%get3A, %get3A_23] : memref<4096x1xi32, #tpu.memory_space<vmem>>, vector<4096x1xi32>
    %eq3A = vector.broadcast %get3A_24 : vector<4096x1xi32> to vector<4096x128xi32>
    %eq3A_25 = vector.broadcast %select_n3A : vector<1x128xi32> to vector<4096x128xi32>
    %eq3A_26 = arith.cmpi eq, %eq3A, %eq3A_25 : vector<4096x128xi32>
    %convert_element_type3A = arith.extui %eq3A_26 : vector<4096x128xi1> to vector<4096x128xi32>
    %convert_element_type3A_27 = arith.sitofp %convert_element_type3A : vector<4096x128xi32> to vector<4096x128xf32>
    %get3A_28 = arith.constant 0 : index
    %get3A_29 = arith.constant 0 : index
    %get3A_30 = vector.load %arg6[%get3A_28, %get3A_29] : memref<4096x1xi32, #tpu.memory_space<vmem>>, vector<4096x1xi32>
    %eq3A_31 = vector.broadcast %get3A_30 : vector<4096x1xi32> to vector<4096x128xi32>
    %eq3A_32 = vector.broadcast %select_n3A : vector<1x128xi32> to vector<4096x128xi32>
    %eq3A_33 = arith.cmpi eq, %eq3A_31, %eq3A_32 : vector<4096x128xi32>
    %convert_element_type3A_34 = arith.extui %eq3A_33 : vector<4096x128xi1> to vector<4096x128xi32>
    %convert_element_type3A_35 = arith.sitofp %convert_element_type3A_34 : vector<4096x128xi32> to vector<4096x128xf32>
    %get3A_36 = arith.constant 0 : index
    %get3A_37 = arith.constant 0 : index
    %get3A_38 = vector.load %arg3[%get3A_36, %get3A_37] : memref<4096x128xf32, #tpu.memory_space<vmem>>, vector<4096x128xf32>
    %mul3A = arith.mulf %get3A_38, %convert_element_type3A_27 : vector<4096x128xf32>
    %get3A_39 = arith.constant 0 : index
    %get3A_40 = arith.constant 0 : index
    %get3A_41 = vector.load %arg7[%get3A_39, %get3A_40] : memref<128x64xf32, #tpu.memory_space<vmem>>, vector<128x64xf32>
    %dot_general3A = arith.constant dense<0.000000e+00> : vector<4096x64xf32>
    %dot_general3A_42 = tpu.matmul %mul3A, %get3A_41, %dot_general3A {dimension_numbers = #tpu.dot_dimension_numbers<[1], [0], [0], [1], [0, 0, 1, 1], [], []>, transpose_lhs_hint = false} : vector<4096x128xf32>, vector<128x64xf32>, vector<4096x64xf32> -> vector<4096x64xf32>
    %get3A_43 = arith.constant 0 : index
    %get3A_44 = arith.constant 0 : index
    %get3A_45 = vector.load %arg4[%get3A_43, %get3A_44] : memref<4096x128xf32, #tpu.memory_space<vmem>>, vector<4096x128xf32>
    %mul3A_46 = arith.mulf %get3A_45, %convert_element_type3A_35 : vector<4096x128xf32>
    %get3A_47 = arith.constant 0 : index
    %get3A_48 = arith.constant 0 : index
    %get3A_49 = vector.load %arg8[%get3A_47, %get3A_48] : memref<128x64xf32, #tpu.memory_space<vmem>>, vector<128x64xf32>
    %dot_general3A_50 = arith.constant dense<0.000000e+00> : vector<4096x64xf32>
    %dot_general3A_51 = tpu.matmul %mul3A_46, %get3A_49, %dot_general3A_50 {dimension_numbers = #tpu.dot_dimension_numbers<[1], [0], [0], [1], [0, 0, 1, 1], [], []>, transpose_lhs_hint = false} : vector<4096x128xf32>, vector<128x64xf32>, vector<4096x64xf32> -> vector<4096x64xf32>
    %add3A = arith.addf %dot_general3A_42, %dot_general3A_51 : vector<4096x64xf32>
    %get3A_52 = arith.constant 0 : index
    %get3A_53 = vector.load %arg9[%get3A_52] : memref<64xf32, #tpu.memory_space<vmem>>, vector<64xf32>
    %broadcast_in_dim3A = vector.shape_cast %get3A_53 : vector<64xf32> to vector<1x64xf32>
    %add3A_54 = vector.broadcast %broadcast_in_dim3A : vector<1x64xf32> to vector<4096x64xf32>
    %add3A_55 = arith.addf %add3A, %add3A_54 : vector<4096x64xf32>
    %max3A = arith.constant 0.000000e+00 : f32
    %max3A_56 = vector.broadcast %max3A : f32 to vector<4096x64xf32>
    %max3A_57 = arith.maximumf %add3A_55, %max3A_56 : vector<4096x64xf32>
    %get3A_58 = arith.constant 0 : index
    %get3A_59 = arith.constant 0 : index
    %get3A_60 = vector.load %arg10[%get3A_58, %get3A_59] : memref<32x64xf32, #tpu.memory_space<vmem>>, vector<32x64xf32>
    %dot_general3A_61 = arith.constant dense<0.000000e+00> : vector<4096x32xf32>
    %dot_general3A_62 = tpu.matmul %max3A_57, %get3A_60, %dot_general3A_61 {dimension_numbers = #tpu.dot_dimension_numbers<[1], [1], [0], [0], [0, 0, 1, 0], [], []>, transpose_lhs_hint = false} : vector<4096x64xf32>, vector<32x64xf32>, vector<4096x32xf32> -> vector<4096x32xf32>
    %get3A_63 = arith.constant 0 : index
    %get3A_64 = vector.load %arg11[%get3A_63] : memref<32xf32, #tpu.memory_space<vmem>>, vector<32xf32>
    %broadcast_in_dim3A_65 = vector.shape_cast %get3A_64 : vector<32xf32> to vector<1x32xf32>
    %add3A_66 = vector.broadcast %broadcast_in_dim3A_65 : vector<1x32xf32> to vector<4096x32xf32>
    %add3A_67 = arith.addf %dot_general3A_62, %add3A_66 : vector<4096x32xf32>
    %max3A_68 = arith.constant 0.000000e+00 : f32
    %max3A_69 = vector.broadcast %max3A_68 : f32 to vector<4096x32xf32>
    %max3A_70 = arith.maximumf %add3A_67, %max3A_69 : vector<4096x32xf32>
    %get3A_71 = arith.constant 0 : index
    %get3A_72 = arith.constant 0 : index
    %get3A_73 = vector.load %arg12[%get3A_71, %get3A_72] : memref<16x32xf32, #tpu.memory_space<vmem>>, vector<16x32xf32>
    %dot_general3A_74 = arith.constant dense<0.000000e+00> : vector<4096x16xf32>
    %dot_general3A_75 = tpu.matmul %max3A_70, %get3A_73, %dot_general3A_74 {dimension_numbers = #tpu.dot_dimension_numbers<[1], [1], [0], [0], [0, 0, 1, 0], [], []>, transpose_lhs_hint = false} : vector<4096x32xf32>, vector<16x32xf32>, vector<4096x16xf32> -> vector<4096x16xf32>
    %get3A_76 = arith.constant 0 : index
    %get3A_77 = vector.load %arg13[%get3A_76] : memref<16xf32, #tpu.memory_space<vmem>>, vector<16xf32>
    %broadcast_in_dim3A_78 = vector.shape_cast %get3A_77 : vector<16xf32> to vector<1x16xf32>
    %add3A_79 = vector.broadcast %broadcast_in_dim3A_78 : vector<1x16xf32> to vector<4096x16xf32>
    %add3A_80 = arith.addf %dot_general3A_75, %add3A_79 : vector<4096x16xf32>
    %max3A_81 = arith.constant 0.000000e+00 : f32
    %max3A_82 = vector.broadcast %max3A_81 : f32 to vector<4096x16xf32>
    %max3A_83 = arith.maximumf %add3A_80, %max3A_82 : vector<4096x16xf32>
    %get3A_84 = arith.constant 0 : index
    %get3A_85 = arith.constant 0 : index
    %get3A_86 = vector.load %arg14[%get3A_84, %get3A_85] : memref<8x16xf32, #tpu.memory_space<vmem>>, vector<8x16xf32>
    %dot_general3A_87 = arith.constant dense<0.000000e+00> : vector<4096x8xf32>
    %dot_general3A_88 = tpu.matmul %max3A_83, %get3A_86, %dot_general3A_87 {dimension_numbers = #tpu.dot_dimension_numbers<[1], [1], [0], [0], [0, 0, 1, 0], [], []>, transpose_lhs_hint = false} : vector<4096x16xf32>, vector<8x16xf32>, vector<4096x8xf32> -> vector<4096x8xf32>
    %get3A_89 = arith.constant 0 : index
    %get3A_90 = vector.load %arg15[%get3A_89] : memref<8xf32, #tpu.memory_space<vmem>>, vector<8xf32>
    %broadcast_in_dim3A_91 = vector.shape_cast %get3A_90 : vector<8xf32> to vector<1x8xf32>
    %add3A_92 = vector.broadcast %broadcast_in_dim3A_91 : vector<1x8xf32> to vector<4096x8xf32>
    %add3A_93 = arith.addf %dot_general3A_88, %add3A_92 : vector<4096x8xf32>
    %max3A_94 = arith.constant 0.000000e+00 : f32
    %max3A_95 = vector.broadcast %max3A_94 : f32 to vector<4096x8xf32>
    %max3A_96 = arith.maximumf %add3A_93, %max3A_95 : vector<4096x8xf32>
    %get3A_97 = arith.constant 0 : index
    %get3A_98 = arith.constant 0 : index
    %get3A_99 = vector.load %arg2[%get3A_97, %get3A_98] : memref<4096x128xf32, #tpu.memory_space<vmem>>, vector<4096x128xf32>
    %mul3A_100 = arith.mulf %get3A_99, %convert_element_type3A_35 : vector<4096x128xf32>
    %iota3A_101 = tpu.iota {dimensions = array<i32: 0>} : vector<32x32xi32>
    %iota3A_102 = tpu.iota {dimensions = array<i32: 1>} : vector<32x32xi32>
    %add3A_103 = arith.constant 0 : i32
    %add3A_104 = vector.broadcast %add3A_103 : i32 to vector<32x32xi32>
    %add3A_105 = arith.addi %iota3A_101, %add3A_104 : vector<32x32xi32>
    %eq3A_106 = arith.cmpi eq, %add3A_105, %iota3A_102 : vector<32x32xi32>
    %convert_element_type3A_107 = arith.extui %eq3A_106 : vector<32x32xi1> to vector<32x32xi32>
    %convert_element_type3A_108 = arith.sitofp %convert_element_type3A_107 : vector<32x32xi32> to vector<32x32xf32>
    %tile3A = tpu.concatenate %convert_element_type3A_108, %convert_element_type3A_108, %convert_element_type3A_108, %convert_element_type3A_108 in 0 : vector<32x32xf32>, vector<32x32xf32>, vector<32x32xf32>, vector<32x32xf32> -> vector<128x32xf32>
    %tile3A_109 = tpu.concatenate %tile3A, %tile3A, %tile3A, %tile3A in 1 : vector<128x32xf32>, vector<128x32xf32>, vector<128x32xf32>, vector<128x32xf32> -> vector<128x128xf32>
    %dot_general3A_110 = arith.constant dense<0.000000e+00> : vector<4096x128xf32>
    %dot_general3A_111 = tpu.matmul %mul3A_100, %tile3A_109, %dot_general3A_110 {dimension_numbers = #tpu.dot_dimension_numbers<[1], [0], [0], [1], [0, 0, 1, 1], [], []>, transpose_lhs_hint = false} : vector<4096x128xf32>, vector<128x128xf32>, vector<4096x128xf32> -> vector<4096x128xf32>
    %get3A_112 = arith.constant 0 : index
    %get3A_113 = arith.constant 0 : index
    %get3A_114 = vector.load %arg1[%get3A_112, %get3A_113] : memref<4096x128xf32, #tpu.memory_space<vmem>>, vector<4096x128xf32>
    %mul3A_115 = arith.mulf %get3A_114, %convert_element_type3A_27 : vector<4096x128xf32>
    %mul3A_116 = arith.mulf %mul3A_115, %dot_general3A_111 : vector<4096x128xf32>
    %get3A_117 = arith.constant 0 : index
    %get3A_118 = arith.constant 0 : index
    %get3A_119 = vector.load %arg16[%get3A_117, %get3A_118] : memref<128x1xf32, #tpu.memory_space<vmem>>, vector<128x1xf32>
    %dot_general3A_120 = arith.constant dense<0.000000e+00> : vector<4096x1xf32>
    %dot_general3A_121 = tpu.matmul %mul3A_116, %get3A_119, %dot_general3A_120 {dimension_numbers = #tpu.dot_dimension_numbers<[1], [0], [0], [1], [0, 0, 1, 1], [], []>, transpose_lhs_hint = false} : vector<4096x128xf32>, vector<128x1xf32>, vector<4096x1xf32> -> vector<4096x1xf32>
    %get3A_122 = arith.constant 0 : index
    %get3A_123 = arith.constant 0 : index
    %get3A_124 = vector.load %arg17[%get3A_122, %get3A_123] : memref<1x8xf32, #tpu.memory_space<vmem>>, vector<1x8xf32>
    %dot_general3A_125 = arith.constant dense<0.000000e+00> : vector<4096x1xf32>
    %dot_general3A_126 = tpu.matmul %max3A_96, %get3A_124, %dot_general3A_125 {dimension_numbers = #tpu.dot_dimension_numbers<[1], [1], [0], [0], [0, 0, 1, 0], [], []>, transpose_lhs_hint = false} : vector<4096x8xf32>, vector<1x8xf32>, vector<4096x1xf32> -> vector<4096x1xf32>
    %add3A_127 = arith.addf %dot_general3A_121, %dot_general3A_126 : vector<4096x1xf32>
    %get3A_128 = arith.constant 0 : index
    %get3A_129 = vector.load %arg18[%get3A_128] : memref<1xf32, #tpu.memory_space<vmem>>, vector<1xf32>
    %reshape3A = vector.shape_cast %get3A_129 : vector<1xf32> to vector<1x1xf32>
    %add3A_130 = vector.broadcast %reshape3A : vector<1x1xf32> to vector<4096x1xf32>
    %add3A_131 = arith.addf %add3A_127, %add3A_130 : vector<4096x1xf32>
    %logistic3A = arith.negf %add3A_131 : vector<4096x1xf32>
    %logistic3A_132 = math.exp %logistic3A : vector<4096x1xf32>
    %logistic3A_133 = arith.constant 1.000000e+00 : f32
    %logistic3A_134 = vector.broadcast %logistic3A_133 : f32 to vector<4096x1xf32>
    %logistic3A_135 = arith.addf %logistic3A_134, %logistic3A_132 : vector<4096x1xf32>
    %logistic3A_136 = arith.divf %logistic3A_134, %logistic3A_135 : vector<4096x1xf32>
    %swap3A = arith.constant 0 : index
    %swap3A_137 = arith.constant 0 : index
    %swap3A_138 = vector.load %arg19[%swap3A, %swap3A_137] : memref<4096x1xf32, #tpu.memory_space<vmem>>, vector<4096x1xf32>
    tpu.vector_store %arg19[%swap3A, %swap3A_137], %logistic3A_136 {strides = array<i32>} : memref<4096x1xf32, #tpu.memory_space<vmem>>, vector<4096x1xf32>,
    return
  }
  func.func @transform_0(%arg0: i32) -> (i32, i32) {
    %c0_i32 = arith.constant 0 : i32
    %c0_i32_0 = arith.constant 0 : i32
    return %arg0, %c0_i32 : i32, i32
  }
  func.func @transform_1(%arg0: i32) -> (i32, i32) {
    %c0_i32 = arith.constant 0 : i32
    %c0_i32_0 = arith.constant 0 : i32
    return %arg0, %c0_i32 : i32, i32
  }
  func.func @transform_2(%arg0: i32) -> (i32, i32) {
    %c0_i32 = arith.constant 0 : i32
    %c0_i32_0 = arith.constant 0 : i32
    return %arg0, %c0_i32 : i32, i32
  }
  func.func @transform_3(%arg0: i32) -> (i32, i32) {
    %c0_i32 = arith.constant 0 : i32
    %c0_i32_0 = arith.constant 0 : i32
    return %arg0, %c0_i32 : i32, i32
  }
  func.func @transform_4(%arg0: i32) -> (i32, i32) {
    %c0_i32 = arith.constant 0 : i32
    %c0_i32_0 = arith.constant 0 : i32
    return %arg0, %c0_i32 : i32, i32
  }
  func.func @transform_5(%arg0: i32) -> (i32, i32) {
    %c0_i32 = arith.constant 0 : i32
    %c0_i32_0 = arith.constant 0 : i32
    return %arg0, %c0_i32 : i32, i32
  }
  func.func @transform_6(%arg0: i32) -> (i32, i32) {
    %c0_i32 = arith.constant 0 : i32
    %c0_i32_0 = arith.constant 0 : i32
    %c0_i32_1 = arith.constant 0 : i32
    return %c0_i32, %c0_i32_0 : i32, i32
  }
  func.func @transform_7(%arg0: i32) -> (i32, i32) {
    %c0_i32 = arith.constant 0 : i32
    %c0_i32_0 = arith.constant 0 : i32
    %c0_i32_1 = arith.constant 0 : i32
    return %c0_i32, %c0_i32_0 : i32, i32
  }
  func.func @transform_8(%arg0: i32) -> i32 {
    %c0_i32 = arith.constant 0 : i32
    %c0_i32_0 = arith.constant 0 : i32
    return %c0_i32 : i32
  }
  func.func @transform_9(%arg0: i32) -> (i32, i32) {
    %c0_i32 = arith.constant 0 : i32
    %c0_i32_0 = arith.constant 0 : i32
    %c0_i32_1 = arith.constant 0 : i32
    return %c0_i32, %c0_i32_0 : i32, i32
  }
  func.func @transform_10(%arg0: i32) -> i32 {
    %c0_i32 = arith.constant 0 : i32
    %c0_i32_0 = arith.constant 0 : i32
    return %c0_i32 : i32
  }
  func.func @transform_11(%arg0: i32) -> (i32, i32) {
    %c0_i32 = arith.constant 0 : i32
    %c0_i32_0 = arith.constant 0 : i32
    %c0_i32_1 = arith.constant 0 : i32
    return %c0_i32, %c0_i32_0 : i32, i32
  }
  func.func @transform_12(%arg0: i32) -> i32 {
    %c0_i32 = arith.constant 0 : i32
    %c0_i32_0 = arith.constant 0 : i32
    return %c0_i32 : i32
  }
  func.func @transform_13(%arg0: i32) -> (i32, i32) {
    %c0_i32 = arith.constant 0 : i32
    %c0_i32_0 = arith.constant 0 : i32
    %c0_i32_1 = arith.constant 0 : i32
    return %c0_i32, %c0_i32_0 : i32, i32
  }
  func.func @transform_14(%arg0: i32) -> i32 {
    %c0_i32 = arith.constant 0 : i32
    %c0_i32_0 = arith.constant 0 : i32
    return %c0_i32 : i32
  }
  func.func @transform_15(%arg0: i32) -> (i32, i32) {
    %c0_i32 = arith.constant 0 : i32
    %c0_i32_0 = arith.constant 0 : i32
    %c0_i32_1 = arith.constant 0 : i32
    return %c0_i32, %c0_i32_0 : i32, i32
  }
  func.func @transform_16(%arg0: i32) -> (i32, i32) {
    %c0_i32 = arith.constant 0 : i32
    %c0_i32_0 = arith.constant 0 : i32
    %c0_i32_1 = arith.constant 0 : i32
    return %c0_i32, %c0_i32_0 : i32, i32
  }
  func.func @transform_17(%arg0: i32) -> i32 {
    %c0_i32 = arith.constant 0 : i32
    %c0_i32_0 = arith.constant 0 : i32
    return %c0_i32 : i32
  }
  func.func @transform_18(%arg0: i32) -> (i32, i32) {
    %c0_i32 = arith.constant 0 : i32
    %c0_i32_0 = arith.constant 0 : i32
    return %arg0, %c0_i32 : i32, i32
  }
}

</mosaic_0001>

<sc_bundles>
// kernel: kernel.10.cloned.1.call-start
scs
__scs_entry_jumppad:
0x0: {  	(pc) =	sbr.rel $0x88, $3  }
0x1: {  	(tag) =	ssettag $0x0;
	lr =	simm.s32 $0x1  }
0x2: {  	[smem:$0x3F91] =	sst lr;
	_ =	strace $0xD0000000  }
0x3: {  	_ = 	snop  }
0x4: {  	_ = 	snop  }
0x5: {  	_ = 	snop  }
0x6: {  	_ = 	snop  }
0x7: {  	_ = 	snop  }
__scs_overlays_trampoline_lowered:
0x8: {  	[smem:$0x3FA0] =	sst s0  }
0x9: {  	[smem:$0x3FA1] =	sst s1  }
0xa: {  	[smem:$0x3FA2] =	sst s2  }
0xb: {  	[smem:$0x3FA3] =	sst s3  }
0xc: {  	[smem:$0x3FA4] =	sst s4  }
0xd: {  	[smem:$0x3FA5] =	sst s5  }
0xe: {  	[smem:$0x3FA6] =	sst s6  }
0xf: {  	[smem:$0x3FA7] =	sst s7  }
0x10: {  	[smem:$0x3FA8] =	sst s8  }
0x11: {  	[smem:$0x3FA9] =	sst s9;
	s0 =	simm.s32 @!p0 $0x0  }
0x12: {  	s1 =	sld [smem:$0x3F8F];
	s0 =	simm.s32 @p0 $0x1  }
0x13: {  	[smem:$0x3FAA] =	sst s0;
	s0 =	simm.s32 @!p1 $0x0  }
0x14: {  	s2 =	sld [smem:$0x3F8E];
	s0 =	simm.s32 @p1 $0x1  }
0x15: {  	[smem:$0x3FAB] =	sst s0;
	s0 =	simm.s32 @!p2 $0x0  }
0x16: {  	s3 =	sld [smem:$0x3FDB];
	s0 =	simm.s32 @p2 $0x1  }
0x17: {  	s4 =	simm.s32 $0x1BF5;
	[smem:$0x3FAD] =	sst s0  }
0x18: {  	s0 =	sld [smem:$0x3F90];
	_ =	swait.ge [sflag:s4], $0x0  }
0x19: {  	s7 =	sld [smem:$0x3F91]  }
0x1a: {  	s8 =	sadd.s32 $0xFFFFE003, lr  }
0x1b: {  	s9 =	sadd.s32 $0xFFFFFEF7, lr;
	s5 =	simm.s32 $0xFFFFFFFF;
	p2 =	slt.u32 s8, $0xFFFFF086  }
0x1c: {  	p1 =	slt.u32 s9, $0xF7A;
	s5 =	simm.s32 @!p2 $0x0  }
0x1d: {  	s5 =	simm.s32 @p1 $0x1;
	p0 =	seq.s32 s7, s2  }
0x1e: {  	s7 =	smul.u32 @!p0 $0xF7A, s2;
	p2 =	seq.s32 @!p0 s5, $0x0  }
0x1f: {  	s9 =	smul.u32 $0xF7A, s1;
	s8 =	simm.s32 @!p0 $0x1BF5;
	p2 =	por !p2, p0  }
0x20: {  	[sflag:s8] =	ssyncset.s32 @!p0 $0xFFFFF086;
	s6 =	sadd.s32 @!p0 s3, s7;
	s7 =	simm.s32 @!p0 $0x108  }
0x21: {  	s3 =	sadd.s32 s3, s9;
	s6 =	sadd.s32 @!p0 $0x88, s6;
	s7 =	simm.s32 @p2 $0x1082  }
0x22: {  	[simem:s7], [sflag:s8] =	dma.local @!p0 [hbm:s6], $0xF7A  }
0x23: {  	s9 =	sor.u32 $0xD0000000, s2;
	s6 =	simm.s32 $0x108;
	_ =	swait.ge @!p0 [sflag:s8], $0x0  }
0x24: {  	s3 =	sadd.s32 $0x88, s3;
	s6 =	simm.s32 @!p1 $0x1082;
	[sflag:s4] =	ssyncset.s32 $0xFFFFF086  }
0x25: {  	[simem:s6], [sflag:s4] =	dma.local [hbm:s3], $0xF7A  }
0x26: {  	[smem:$0x3F91] =	sst s1;
	(tag) =	ssettag s2;
	_ =	strace s9  }
0x27: {  	s1 =	sld [smem:$0x3FA1]  }
0x28: {  	s2 =	sld [smem:$0x3FA2]  }
0x29: {  	s4 =	sld [smem:$0x3FA4]  }
0x2a: {  	p0 =	seq.s32 s5, $0x0;
	s5 =	sld [smem:$0x3FA5]  }
0x2b: {  	s6 =	sld [smem:$0x3FA6]  }
0x2c: {  	s7 =	sld [smem:$0x3FA7]  }
0x2d: {  	s3 =	simm.s32 $0x108;
	s8 =	sld [smem:$0x3FA8]  }
0x2e: {  	s3 =	simm.s32 @!p0 $0x1082;
	s9 =	sld [smem:$0x3FA9]  }
0x2f: {  	lr =	sadd.s32 s0, s3;
	s0 =	sld [smem:$0x3FA0]  }
0x30: {  	s3 =	sld [smem:$0x3FA3]  }
0x31: {  	[smem:$0x3FAC] =	sst s10  }
0x32: {  	s10 =	sld [smem:$0x3FAA];
	_ =	sdelay $0x3  }
0x33: {  	p0 =	seq.s32 s10, $0x1;
	s10 =	sld [smem:$0x3FAC];
	_ =	sdelay $0x3  }
0x34: {  	[smem:$0x3FAC] =	sst s10  }
0x35: {  	s10 =	sld [smem:$0x3FAB];
	_ =	sdelay $0x3  }
0x36: {  	p1 =	seq.s32 s10, $0x1;
	s10 =	sld [smem:$0x3FAC];
	_ =	sdelay $0x3  }
0x37: {  	[smem:$0x3FAC] =	sst s10  }
0x38: {  	s10 =	sld [smem:$0x3FAD]  }
0x39: {  	_ = 	snop;
	(pc) =	sbr.ind lr, $3  }
0x3a: {  	_ = 	snop  }
0x3b: {  	_ = 	snop  }
0x3c: {  	p2 =	seq.s32 s10, $0x1;
	s10 =	sld [smem:$0x3FAC]  }
0x3d: {  	_ =	shalt  }
0x3e: {  	_ =	shalt  }
0x3f: {  	_ =	shalt  }
0x40: {  	_ =	shalt  }
0x41: {  	_ =	shalt  }
0x42: {  	_ =	shalt  }
0x43: {  	_ =	shalt  }
0x44: {  	_ =	shalt  }
0x45: {  	_ =	shalt  }
0x46: {  	_ =	shalt  }
0x47: {  	_ =	shalt  }
0x48: {  	_ =	shalt  }
0x49: {  	_ =	shalt  }
0x4a: {  	_ =	shalt  }
0x4b: {  	_ =	shalt  }
0x4c: {  	_ =	shalt  }
0x4d: {  	_ =	shalt  }
0x4e: {  	_ =	shalt  }
0x4f: {  	_ =	shalt  }
0x50: {  	_ =	shalt  }
0x51: {  	_ =	shalt  }
0x52: {  	_ =	shalt  }
0x53: {  	_ =	shalt  }
0x54: {  	_ =	shalt  }
0x55: {  	_ =	shalt  }
0x56: {  	_ =	shalt  }
0x57: {  	_ =	shalt  }
0x58: {  	_ =	shalt  }
0x59: {  	_ =	shalt  }
0x5a: {  	_ =	shalt  }
0x5b: {  	_ =	shalt  }
0x5c: {  	_ =	shalt  }
0x5d: {  	_ =	shalt  }
0x5e: {  	_ =	shalt  }
0x5f: {  	_ =	shalt  }
0x60: {  	_ =	shalt  }
0x61: {  	_ =	shalt  }
0x62: {  	_ =	shalt  }
0x63: {  	_ =	shalt  }
0x64: {  	_ =	shalt  }
0x65: {  	_ =	shalt  }
0x66: {  	_ =	shalt  }
0x67: {  	_ =	shalt  }
0x68: {  	_ =	shalt  }
0x69: {  	_ =	shalt  }
0x6a: {  	_ =	shalt  }
0x6b: {  	_ =	shalt  }
0x6c: {  	_ =	shalt  }
0x6d: {  	_ =	shalt  }
0x6e: {  	_ =	shalt  }
0x6f: {  	_ =	shalt  }
0x70: {  	_ =	shalt  }
0x71: {  	_ =	shalt  }
0x72: {  	_ =	shalt  }
0x73: {  	_ =	shalt  }
0x74: {  	_ =	shalt  }
0x75: {  	_ =	shalt  }
0x76: {  	_ =	shalt  }
0x77: {  	_ =	shalt  }
0x78: {  	_ =	shalt  }
0x79: {  	_ =	shalt  }
0x7a: {  	_ =	shalt  }
0x7b: {  	_ =	shalt  }
0x7c: {  	_ =	shalt  }
0x7d: {  	_ =	shalt  }
0x7e: {  	_ =	shalt  }
0x7f: {  	_ =	shalt  }
0x80: {  	_ =	shalt  }
0x81: {  	_ =	shalt  }
0x82: {  	_ =	shalt  }
0x83: {  	_ =	shalt  }
0x84: {  	_ =	shalt  }
0x85: {  	_ =	shalt  }
0x86: {  	_ =	shalt  }
0x87: {  	_ =	shalt  }
.Lfunc_end0:
.L_simem_size_0:
called_computation.1_lowered:
.L_overlay_start_0:
0x88: {  	s2 =	sld [smem:$0x3FD9]  }
0x89: {  	s3 =	sld [smem:$0x3FFE];
	_ =	sdelay $0x1  }
0x8a: {  	s1 =	srdreg.scid  }
0x8b: {  	s0 =	sand.u32 $0x1, s1  }
0x8c: {  	s16 =	sshll.u32 s0, $0xA;
	s2 =	sadd.s32 s3, s2  }
0x8d: {  	s2 =	sadd.s32 s2, s16  }
0x8e: {  	[smem:$0x3FB8] =	sst s2  }
0x8f: {  	_ = 	snop  }
0x90: {  	(tm) =	ssettm $0x1  }
0x91: {  	s17 =	sld [smem:$0x3FFB];
	_ =	sdelay $0x3  }
0x92: {  	_ =	strace s17  }
0x93: {  	s2 =	sld [smem:$0x3FFC];
	_ =	sdelay $0x3  }
0x94: {  	_ =	strace s2  }
0x95: {  	s2 =	sld [smem:$0x3FFD];
	_ =	sdelay $0x3  }
0x96: {  	_ =	strace s2  }
0x97: {  	_ =	strace $0x8FFFFFFF  }
0x98: {  	s18 =	sld [smem:$0x3FDB];
	_ =	sdelay $0x1  }
0x99: {  	s19 =	simm.s32 $_scs_section_size  }
0x9a: {  	s4 =	simm.s32 $_size__tile_overlayer_lowered;
	s5 =	simm.s32 $_tile_overlayer_lowered  }
0x9b: {  	s22 =	simm.s32 $0x1BFF;
	s21 =	sshll.u32 s5, $0x1;
	s2 =	sadd.s32 s19, s18  }
0x9c: {  	s6 =	simm.s32 $0x0;
	s20 =	sshll.u32 s4, $0x1;
	s4 =	sadd.s32 s21, s2  }
0x9d: {  	[timem:s6], [sflag:s22] =	dma.local [hbm:s4], s20  }
0x9e: {  	_ =	swait.ge [sflag:s22], s20  }
0x9f: {  	s3 =	ssub.s32 $0x0, s20;
	[sflag:s22] =	ssyncset.done $0x0  }
0xa0: {  	[sflag:s22] =	ssyncadd.s32 s3;
	_ =	sdelay $0x1  }
0xa1: {  	s23 =	simm.s32 $0x1B8B  }
0xa2: {  	_ =	swait.ge [sflag:s23], $0x1  }
0xa3: {  	[sflag:s23] =	ssyncset.done $0x0  }
0xa4: {  	s25 =	simm.s32 $0x1B8E;
	s24 =	sld [smem:$0x3FFE];
	[sflag:s23] =	ssyncadd.s32 $0xFFFFFFFF  }
0xa5: {  	s26 =	simm.s32 $execute0_lowered;
	[smem:$0x3FD2] =	sst s25  }
0xa6: {  	s4 =	sshll.u32 s26, $0x1;
	_ =	strace $0x80000046;
	[dreg:$0x1] =	wrdreg $0xFFFFFFFF  }
0xa7: {  	s28 =	simm.s32 $_size_execute0_lowered;
	s2 =	sadd.s32 s2, s4;
	[dreg:$0x0] =	wrdreg $0x0  }
0xa8: {  	s4 =	sshll.u32 s28, $0x1;
	[dreg:$0x2] =	wrdreg s2  }
0xa9: {  	[dreg:$0x3] =	wrdreg s4  }
0xaa: {  	[dreg:$0x4] =	wrdreg $0xC0  }
0xab: {  	_ =	task [dreg:s6], $0x5FFFF  }
0xac: {  	[dreg:$0x1] =	wrdreg $0xFFFFFFFF  }
0xad: {  	[dreg:$0x0] =	wrdreg $0x60  }
0xae: {  	[dreg:$0x2] =	wrdreg s24  }
0xaf: {  	[dreg:$0x3] =	wrdreg $0xA  }
0xb0: {  	_ =	task.clear_ibuf [dreg:s6], $0x4FFFF;
	_ =	strace $0x90000046  }
0xb1: {  	s29 =	simm.s32 $0xA;
	_ =	strace $0x80000048  }
0xb2: {  	_ =	swait.ge [sflag:s29], $0x1  }
0xb3: {  	[sflag:s29] =	ssyncadd.s32 $0xFFFFFFFF  }
0xb4: {  	_ =	strace $0x90000048  }
0xb5: {  	_ =	sfence  }
0xb6: {  	s30 =	sld [smem:$0x0];
	_ =	sdelay $0x2  }
0xb7: {  	s31 =	sshll.u32 s1, $0xD;
	s1 =	sshrl.u32 s1, $0x2  }
0xb8: {  	s3 =	sand.u32 $0x4000, s31;
	s1 =	sadd.s32 s1, s30  }
0xb9: {  	s0 =	sor.u32 s3, s0;
	s1 =	sshll.u32 s1, $0x11  }
0xba: {  	s0 =	sor.u32 s1, s0  }
0xbb: {  	s0 =	sadd.s32 $0x8F2B, s0  }
0xbc: {  	[sflag:s0] =	ssyncadd.remote.s32 $0x1  }
0xbd: {  	_ =	sfence.sel $0xFFFF  }
0xbe: {  	[dreg:$0x0] =	wrdreg $0xFFFFFFFF;
	(pc) =	sbr.abs _section_cstart, $3  }
0xbf: {  	[dreg:$0x1] =	wrdreg $0xFFFFFFFF  }
0xc0: {  	_ =	task.clear_ibuf [dreg:s6], $0x2FFFF;
	_ =	strace $0x9FFFFFFF  }
0xc1: {  	(tm) =	ssettm $0x7FFFFFFF  }
tec
execute0_lowered:
.L_overlay_start_1:
0x0: {  	(tag) =	ssettag $0x1  }
0x1: {  	s1 =	srdreg.scid  }
0x2: {  	s0 =	stileid.u32;
	s10 =	sand.u32 $0x1, s1  }
0x3: {  	s30 =	sshll.u32 s0, $0xA;
	s2 =	sshll.u32 s10, $0x9  }
0x4: {  	s9 =	rddreg [dreg:$0x0];
	s8 =	sor.u32 s2, s30  }
0x5: {  	s1 =	rddreg [dreg:$0x1];
	s2 =	simm.s32 $0x0;
	s3 =	sshrl.u32 s8, $0x3  }
0x6: {  	[smem:$0x7FF] =	sst s2;
	s3 =	sadd.s32 s3, s9  }
0x7: {  	_ =	strace $0x80000047;
	s4 =	sadd.s32 $0x3800, s3;
	s3 =	simm.s32 $0x2  }
0x8: {  	[tilespmem:s2], [sflag:$0x2] =	stream.linear.gather [hbm4b:s4+s2], $0x200, $0x38;
	[tilespmem:$0x10200] =	vst v63  }
0x9: {  	_ =	swait.ge [sflag:s3], $0x200  }
0xa: {  	s6 =	simm.s32 $0x200;
	[sflag:s3] =	ssyncset.done $0x0  }
0xb: {  	s7 =	simm.s32 $0x1;
	s5 =	sadd.s32 $0x4000, s9;
	[sflag:s3] =	ssyncadd.s32 $0xFFFFFE00  }
0xc: {  	[tilespmem:s6], [sflag:$0x1] =	stream.indirect.gather [hbm4b:s5+s6], $0x80, s2, s6, $0xb8;
	[tilespmem:$0x10200] =	vst v63  }
0xd: {  	s8 =	sshll.u32 s8, $0x4;
	_ =	swait.ge [sflag:s7], $0x10000  }
0xe: {  	s11 =	sadd.s32 s8, s9;
	[sflag:s7] =	ssyncset.done $0x0  }
0xf: {  	s10 =	ssub.s32 $0x2, s10;
	s8 =	sadd.s32 $0x7C4000, s11;
	[sflag:s7] =	ssyncadd.s32 $0xFFFF0000  }
0x10: {  	[hbm4b:s8+s2] =	stream.linear.scatter [tilespmem:s6], [sflag:$0x2], $0x10000, $0x38;
	[tilespmem:$0x10200] =	vst v63  }
0x11: {  	s12 =	sshrl.u32 s10, $0x1;
	_ =	swait.ge [sflag:s3], $0x10000  }
0x12: {  	s12 =	ssub.s32 s10, s12;
	[sflag:s3] =	ssyncset.done $0x0  }
0x13: {  	s9 =	sadd.s32 $0x3E4000, s9;
	s31 =	smax.u32 s12, $0x1;
	[sflag:s3] =	ssyncadd.s32 $0xFFFF0000  }
0x14: {  	[tilespmem:s6], [sflag:$0x1] =	stream.indirect.gather [hbm4b:s9+s6], $0x80, s2, s6, $0xb8;
	[tilespmem:$0x10200] =	vst v63  }
0x15: {  	p0 =	sne.s32 s31, $0x1;
	_ =	swait.ge [sflag:s7], $0x10000  }
.Ltmp0:
0x16: {  	[sflag:s7] =	ssyncset.done $0x0;
	(pc) =	sbr.rel @!p0 .LBB2_2-.Ltmp0, $4  }
0x17: {  	s10 =	sadd.s32 $0x804000, s11;
	[sflag:s7] =	ssyncadd.s32 $0xFFFF0000  }
0x18: {  	[hbm4b:s10+s2] =	stream.linear.scatter [tilespmem:s6], [sflag:$0x2], $0x10000, $0x38;
	[tilespmem:$0x10200] =	vst v63  }
0x19: {  	_ =	swait.ge [sflag:s3], $0x10000  }
0x1a: {  	s11 =	sadd.s32 $0xFFFFFFFF, s31;
	[sflag:s3] =	ssyncset.done $0x0  }
.LBB2_1:
0x1b: {  	p0 =	sne.s32 s11, $0x1;
	s11 =	sadd.s32 $0xFFFFFFFF, s11;
	[sflag:s3] =	ssyncadd.s32 $0xFFFF0000  }
0x1c: {  	[tilespmem:s2], [sflag:$0x2] =	stream.linear.gather [hbm4b:s4+s2], $0x200, $0x38;
	[tilespmem:$0x10200] =	vst v63  }
0x1d: {  	_ =	swait.ge [sflag:s3], $0x200  }
0x1e: {  	[sflag:s3] =	ssyncset.done $0x0  }
0x1f: {  	[sflag:s3] =	ssyncadd.s32 $0xFFFFFE00  }
0x20: {  	[tilespmem:s6], [sflag:$0x1] =	stream.indirect.gather [hbm4b:s5+s6], $0x80, s2, s6, $0xb8;
	[tilespmem:$0x10200] =	vst v63  }
0x21: {  	_ =	swait.ge [sflag:s7], $0x10000  }
0x22: {  	[sflag:s7] =	ssyncset.done $0x0  }
0x23: {  	[sflag:s7] =	ssyncadd.s32 $0xFFFF0000  }
0x24: {  	[hbm4b:s8+s2] =	stream.linear.scatter [tilespmem:s6], [sflag:$0x2], $0x10000, $0x38;
	[tilespmem:$0x10200] =	vst v63  }
0x25: {  	_ =	swait.ge [sflag:s3], $0x10000  }
0x26: {  	[sflag:s3] =	ssyncset.done $0x0  }
0x27: {  	[sflag:s3] =	ssyncadd.s32 $0xFFFF0000  }
0x28: {  	[tilespmem:s6], [sflag:$0x1] =	stream.indirect.gather [hbm4b:s9+s6], $0x80, s2, s6, $0xb8;
	[tilespmem:$0x10200] =	vst v63  }
0x29: {  	_ =	swait.ge [sflag:s7], $0x10000  }
.Ltmp1:
0x2a: {  	[sflag:s7] =	ssyncset.done $0x0;
	(pc) =	sbr.rel @p0 .LBB2_1-.Ltmp1, $4  }
0x2b: {  	[sflag:s7] =	ssyncadd.s32 $0xFFFF0000  }
0x2c: {  	[hbm4b:s10+s2] =	stream.linear.scatter [tilespmem:s6], [sflag:$0x2], $0x10000, $0x38;
	[tilespmem:$0x10200] =	vst v63  }
0x2d: {  	_ =	swait.ge [sflag:s3], $0x10000  }
0x2e: {  	[sflag:s3] =	ssyncset.done $0x0  }
.LBB2_2:
0x2f: {  	[sflag:s3] =	ssyncadd.s32 $0xFFFF0000  }
0x30: {  	_ =	sfence.sel $0x180000  }
0x31: {  	[bflag:$0x0] =	sbarrier.arrive $0xFFFF  }
0x32: {  	p0 =	sne.s32 s0, $0x0;
	_ =	strace $0x90000047  }
0x33: {  	s0 =	sadd.s32 @!p0 $0x100000, s1;
	[bflag:$0x2] =	sbarrier.arrive $0xFFFF  }
0x34: {  	[sflag:s0] =	ssyncadd.tile.s32 @!p0 $0x1;
	_ =	shalt  }
.Lfunc_end2:
_tile_overlayer_lowered:
.L_overlay_start_2:
0x35: {  	(tag) =	ssettag $0x2  }
0x36: {  	s0 =	rddreg [dreg:$0x0];
	s2 =	stileid.u32  }
0x37: {  	s1 =	rddreg [dreg:$0x1];
	p0 =	sne.s32 s2, $0x0  }
0x38: {  	s3 =	rddreg [dreg:$0x2];
	[bflag:$0x3] =	sbarrier.arrive $0xFFFF;
	s2 =	simm.s32 @!p0 $0x1C02  }
0x39: {  	[timem:s3], [sflag:s2] =	dma.local @!p0 [hbm:s0], s1  }
0x3a: {  	s0 =	simm.s32 @!p0 $0x2  }
0x3b: {  	_ =	swait.ge @!p0 [sflag:s0], s1  }
0x3c: {  	s1 =	ssub.s32 @!p0 $0x0, s1;
	[sflag:s0] =	ssyncset.done @!p0 $0x0  }
0x3d: {  	[sflag:s0] =	ssyncadd.s32 @!p0 s1  }
0x3e: {  	[bflag:$0x3] =	sbarrier.arrive $0xFFFF  }
0x3f: {  	_ =	shalt  }

// kernel: kernel.7.cloned.1.call-start
scs
__scs_entry_jumppad:
0x0: {  	(pc) =	sbr.rel $0x88, $3  }
0x1: {  	(tag) =	ssettag $0x0;
	lr =	simm.s32 $0x1  }
0x2: {  	[smem:$0x3F91] =	sst lr;
	_ =	strace $0xD0000000  }
0x3: {  	_ = 	snop  }
0x4: {  	_ = 	snop  }
0x5: {  	_ = 	snop  }
0x6: {  	_ = 	snop  }
0x7: {  	_ = 	snop  }
__scs_overlays_trampoline_lowered:
0x8: {  	[smem:$0x3FA0] =	sst s0  }
0x9: {  	[smem:$0x3FA1] =	sst s1  }
0xa: {  	[smem:$0x3FA2] =	sst s2  }
0xb: {  	[smem:$0x3FA3] =	sst s3  }
0xc: {  	[smem:$0x3FA4] =	sst s4  }
0xd: {  	[smem:$0x3FA5] =	sst s5  }
0xe: {  	[smem:$0x3FA6] =	sst s6  }
0xf: {  	[smem:$0x3FA7] =	sst s7  }
0x10: {  	[smem:$0x3FA8] =	sst s8  }
0x11: {  	[smem:$0x3FA9] =	sst s9;
	s0 =	simm.s32 @!p0 $0x0  }
0x12: {  	s1 =	sld [smem:$0x3F8F];
	s0 =	simm.s32 @p0 $0x1  }
0x13: {  	[smem:$0x3FAA] =	sst s0;
	s0 =	simm.s32 @!p1 $0x0  }
0x14: {  	s2 =	sld [smem:$0x3F8E];
	s0 =	simm.s32 @p1 $0x1  }
0x15: {  	[smem:$0x3FAB] =	sst s0;
	s0 =	simm.s32 @!p2 $0x0  }
0x16: {  	s3 =	sld [smem:$0x3FDB];
	s0 =	simm.s32 @p2 $0x1  }
0x17: {  	s4 =	simm.s32 $0x1BF5;
	[smem:$0x3FAD] =	sst s0  }
0x18: {  	s0 =	sld [smem:$0x3F90];
	_ =	swait.ge [sflag:s4], $0x0  }
0x19: {  	s7 =	sld [smem:$0x3F91]  }
0x1a: {  	s8 =	sadd.s32 $0xFFFFE003, lr  }
0x1b: {  	s9 =	sadd.s32 $0xFFFFFEF7, lr;
	s5 =	simm.s32 $0xFFFFFFFF;
	p2 =	slt.u32 s8, $0xFFFFF086  }
0x1c: {  	p1 =	slt.u32 s9, $0xF7A;
	s5 =	simm.s32 @!p2 $0x0  }
0x1d: {  	s5 =	simm.s32 @p1 $0x1;
	p0 =	seq.s32 s7, s2  }
0x1e: {  	s7 =	smul.u32 @!p0 $0xF7A, s2;
	p2 =	seq.s32 @!p0 s5, $0x0  }
0x1f: {  	s9 =	smul.u32 $0xF7A, s1;
	s8 =	simm.s32 @!p0 $0x1BF5;
	p2 =	por !p2, p0  }
0x20: {  	[sflag:s8] =	ssyncset.s32 @!p0 $0xFFFFF086;
	s6 =	sadd.s32 @!p0 s3, s7;
	s7 =	simm.s32 @!p0 $0x108  }
0x21: {  	s3 =	sadd.s32 s3, s9;
	s6 =	sadd.s32 @!p0 $0x88, s6;
	s7 =	simm.s32 @p2 $0x1082  }
0x22: {  	[simem:s7], [sflag:s8] =	dma.local @!p0 [hbm:s6], $0xF7A  }
0x23: {  	s9 =	sor.u32 $0xD0000000, s2;
	s6 =	simm.s32 $0x108;
	_ =	swait.ge @!p0 [sflag:s8], $0x0  }
0x24: {  	s3 =	sadd.s32 $0x88, s3;
	s6 =	simm.s32 @!p1 $0x1082;
	[sflag:s4] =	ssyncset.s32 $0xFFFFF086  }
0x25: {  	[simem:s6], [sflag:s4] =	dma.local [hbm:s3], $0xF7A  }
0x26: {  	[smem:$0x3F91] =	sst s1;
	(tag) =	ssettag s2;
	_ =	strace s9  }
0x27: {  	s1 =	sld [smem:$0x3FA1]  }
0x28: {  	s2 =	sld [smem:$0x3FA2]  }
0x29: {  	s4 =	sld [smem:$0x3FA4]  }
0x2a: {  	p0 =	seq.s32 s5, $0x0;
	s5 =	sld [smem:$0x3FA5]  }
0x2b: {  	s6 =	sld [smem:$0x3FA6]  }
0x2c: {  	s7 =	sld [smem:$0x3FA7]  }
0x2d: {  	s3 =	simm.s32 $0x108;
	s8 =	sld [smem:$0x3FA8]  }
0x2e: {  	s3 =	simm.s32 @!p0 $0x1082;
	s9 =	sld [smem:$0x3FA9]  }
0x2f: {  	lr =	sadd.s32 s0, s3;
	s0 =	sld [smem:$0x3FA0]  }
0x30: {  	s3 =	sld [smem:$0x3FA3]  }
0x31: {  	[smem:$0x3FAC] =	sst s10  }
0x32: {  	s10 =	sld [smem:$0x3FAA];
	_ =	sdelay $0x3  }
0x33: {  	p0 =	seq.s32 s10, $0x1;
	s10 =	sld [smem:$0x3FAC];
	_ =	sdelay $0x3  }
0x34: {  	[smem:$0x3FAC] =	sst s10  }
0x35: {  	s10 =	sld [smem:$0x3FAB];
	_ =	sdelay $0x3  }
0x36: {  	p1 =	seq.s32 s10, $0x1;
	s10 =	sld [smem:$0x3FAC];
	_ =	sdelay $0x3  }
0x37: {  	[smem:$0x3FAC] =	sst s10  }
0x38: {  	s10 =	sld [smem:$0x3FAD]  }
0x39: {  	_ = 	snop;
	(pc) =	sbr.ind lr, $3  }
0x3a: {  	_ = 	snop  }
0x3b: {  	_ = 	snop  }
0x3c: {  	p2 =	seq.s32 s10, $0x1;
	s10 =	sld [smem:$0x3FAC]  }
0x3d: {  	_ =	shalt  }
0x3e: {  	_ =	shalt  }
0x3f: {  	_ =	shalt  }
0x40: {  	_ =	shalt  }
0x41: {  	_ =	shalt  }
0x42: {  	_ =	shalt  }
0x43: {  	_ =	shalt  }
0x44: {  	_ =	shalt  }
0x45: {  	_ =	shalt  }
0x46: {  	_ =	shalt  }
0x47: {  	_ =	shalt  }
0x48: {  	_ =	shalt  }
0x49: {  	_ =	shalt  }
0x4a: {  	_ =	shalt  }
0x4b: {  	_ =	shalt  }
0x4c: {  	_ =	shalt  }
0x4d: {  	_ =	shalt  }
0x4e: {  	_ =	shalt  }
0x4f: {  	_ =	shalt  }
0x50: {  	_ =	shalt  }
0x51: {  	_ =	shalt  }
0x52: {  	_ =	shalt  }
0x53: {  	_ =	shalt  }
0x54: {  	_ =	shalt  }
0x55: {  	_ =	shalt  }
0x56: {  	_ =	shalt  }
0x57: {  	_ =	shalt  }
0x58: {  	_ =	shalt  }
0x59: {  	_ =	shalt  }
0x5a: {  	_ =	shalt  }
0x5b: {  	_ =	shalt  }
0x5c: {  	_ =	shalt  }
0x5d: {  	_ =	shalt  }
0x5e: {  	_ =	shalt  }
0x5f: {  	_ =	shalt  }
0x60: {  	_ =	shalt  }
0x61: {  	_ =	shalt  }
0x62: {  	_ =	shalt  }
0x63: {  	_ =	shalt  }
0x64: {  	_ =	shalt  }
0x65: {  	_ =	shalt  }
0x66: {  	_ =	shalt  }
0x67: {  	_ =	shalt  }
0x68: {  	_ =	shalt  }
0x69: {  	_ =	shalt  }
0x6a: {  	_ =	shalt  }
0x6b: {  	_ =	shalt  }
0x6c: {  	_ =	shalt  }
0x6d: {  	_ =	shalt  }
0x6e: {  	_ =	shalt  }
0x6f: {  	_ =	shalt  }
0x70: {  	_ =	shalt  }
0x71: {  	_ =	shalt  }
0x72: {  	_ =	shalt  }
0x73: {  	_ =	shalt  }
0x74: {  	_ =	shalt  }
0x75: {  	_ =	shalt  }
0x76: {  	_ =	shalt  }
0x77: {  	_ =	shalt  }
0x78: {  	_ =	shalt  }
0x79: {  	_ =	shalt  }
0x7a: {  	_ =	shalt  }
0x7b: {  	_ =	shalt  }
0x7c: {  	_ =	shalt  }
0x7d: {  	_ =	shalt  }
0x7e: {  	_ =	shalt  }
0x7f: {  	_ =	shalt  }
0x80: {  	_ =	shalt  }
0x81: {  	_ =	shalt  }
0x82: {  	_ =	shalt  }
0x83: {  	_ =	shalt  }
0x84: {  	_ =	shalt  }
0x85: {  	_ =	shalt  }
0x86: {  	_ =	shalt  }
0x87: {  	_ =	shalt  }
.Lfunc_end0:
.L_simem_size_0:
called_computation_lowered:
.L_overlay_start_0:
0x88: {  	s2 =	sld [smem:$0x3FD9]  }
0x89: {  	s3 =	sld [smem:$0x3FFE];
	_ =	sdelay $0x1  }
0x8a: {  	s1 =	srdreg.scid  }
0x8b: {  	s0 =	sand.u32 $0x1, s1  }
0x8c: {  	s17 =	sshll.u32 s0, $0xA;
	s2 =	sadd.s32 s3, s2  }
0x8d: {  	s2 =	sadd.s32 s2, s17  }
0x8e: {  	[smem:$0x3FB8] =	sst s2  }
0x8f: {  	_ = 	snop  }
0x90: {  	s18 =	sld [smem:$0x3FD0];
	(tm) =	ssettm $0x1  }
0x91: {  	s19 =	sld [smem:$0x3FFB];
	_ =	sdelay $0x3  }
0x92: {  	_ =	strace s19  }
0x93: {  	s2 =	sld [smem:$0x3FFC];
	_ =	sdelay $0x3  }
0x94: {  	_ =	strace s2  }
0x95: {  	s2 =	sld [smem:$0x3FFD];
	_ =	sdelay $0x3  }
0x96: {  	_ =	strace s2  }
0x97: {  	_ =	strace $0x8FFFFFFF  }
0x98: {  	s20 =	sld [smem:$0x3FDB];
	_ =	sdelay $0x1  }
0x99: {  	s4 =	simm.s32 $_scs_section_size  }
0x9a: {  	s5 =	simm.s32 $_size__tile_overlayer_lowered;
	s6 =	simm.s32 $_tile_overlayer_lowered  }
0x9b: {  	s7 =	simm.s32 $0x1BFF;
	s21 =	sshll.u32 s6, $0x1;
	s4 =	sadd.s32 s4, s20  }
0x9c: {  	s22 =	simm.s32 $0x0;
	s5 =	sshll.u32 s5, $0x1;
	s6 =	sadd.s32 s21, s4  }
0x9d: {  	[timem:s22], [sflag:s7] =	dma.local [hbm:s6], s5  }
0x9e: {  	_ =	swait.ge [sflag:s7], s5  }
0x9f: {  	s5 =	ssub.s32 $0x0, s5;
	[sflag:s7] =	ssyncset.done $0x0  }
0xa0: {  	[sflag:s7] =	ssyncadd.s32 s5;
	_ =	sdelay $0x1  }
0xa1: {  	s23 =	simm.s32 $0x1B8B  }
0xa2: {  	_ =	swait.ge [sflag:s23], $0x1  }
0xa3: {  	[sflag:s23] =	ssyncset.done $0x0  }
0xa4: {  	[sflag:s23] =	ssyncadd.s32 $0xFFFFFFFF  }
0xa5: {  	s5 =	sld [smem:$0x0]  }
0xa6: {  	s6 =	sand.u32 $0xFFFFFFFE, s1  }
0xa7: {  	p0 =	sne.s32 s1, s6  }
0xa8: {  	s6 =	sshll.u32 @p0 s6, $0xE  }
0xa9: {  	s6 =	sadd.s32 @p0 $0x11B8D, s6;
	s7 =	sshll.u32 @p0 s5, $0x11  }
0xaa: {  	s6 =	sor.u32 @p0 s7, s6  }
0xab: {  	[sflag:s6] =	ssyncadd.remote.s32 @p0 $0x1;
	_ =	sdelay $0x1  }
0xac: {  	s6 =	simm.s32 @p0 $0x1B8D  }
0xad: {  	_ =	swait.eq @p0 [sflag:s6], $0x1  }
0xae: {  	[sflag:s6] =	ssyncadd.s32 @p0 $0xFFFFFFFF  }
0xaf: {  	s7 =	sshll.u32 @!p0 s1, $0xE  }
0xb0: {  	s7 =	sor.u32 @!p0 $0x4000, s7;
	s6 =	simm.s32 @!p0 $0x1B8D  }
0xb1: {  	s5 =	sshll.u32 @!p0 s5, $0x11;
	s7 =	sadd.s32 @!p0 $0x11B8D, s7;
	_ =	swait.eq @!p0 [sflag:s6], $0x1  }
0xb2: {  	s5 =	sor.u32 @!p0 s5, s7;
	[sflag:s6] =	ssyncadd.s32 @!p0 $0xFFFFFFFF  }
0xb3: {  	s25 =	simm.s32 $0x1B8E;
	s24 =	sld [smem:$0x3FFE];
	[sflag:s5] =	ssyncadd.remote.s32 @!p0 $0x1  }
0xb4: {  	s26 =	simm.s32 $execute0_lowered;
	[smem:$0x3FD2] =	sst s25  }
0xb5: {  	s6 =	sshll.u32 s26, $0x1;
	_ =	strace $0x80000049;
	[dreg:$0x1] =	wrdreg $0xFFFFFFFF  }
0xb6: {  	s28 =	simm.s32 $_size_execute0_lowered;
	s4 =	sadd.s32 s4, s6;
	[dreg:$0x0] =	wrdreg $0x0  }
0xb7: {  	s6 =	sshll.u32 s28, $0x1;
	[dreg:$0x2] =	wrdreg s4  }
0xb8: {  	[dreg:$0x3] =	wrdreg s6  }
0xb9: {  	[dreg:$0x4] =	wrdreg $0xC0  }
0xba: {  	_ =	task [dreg:s22], $0x5FFFF  }
0xbb: {  	[dreg:$0x1] =	wrdreg $0xFFFFFFFF  }
0xbc: {  	[dreg:$0x0] =	wrdreg $0x60  }
0xbd: {  	[dreg:$0x2] =	wrdreg s18  }
0xbe: {  	[dreg:$0x3] =	wrdreg s24  }
0xbf: {  	[dreg:$0x4] =	wrdreg $0x9  }
0xc0: {  	_ =	task.clear_ibuf [dreg:s22], $0x5FFFF;
	_ =	strace $0x90000049  }
0xc1: {  	s29 =	simm.s32 $0x9;
	_ =	strace $0x8000004B  }
0xc2: {  	_ =	swait.ge [sflag:s29], $0x1  }
0xc3: {  	[sflag:s29] =	ssyncadd.s32 $0xFFFFFFFF  }
0xc4: {  	_ =	strace $0x9000004B  }
0xc5: {  	_ =	sfence  }
0xc6: {  	s30 =	sld [smem:$0x0];
	_ =	sdelay $0x2  }
0xc7: {  	s31 =	sshll.u32 s1, $0xD;
	s1 =	sshrl.u32 s1, $0x2  }
0xc8: {  	s4 =	sand.u32 $0x4000, s31;
	s1 =	sadd.s32 s1, s30  }
0xc9: {  	s0 =	sor.u32 s4, s0;
	s1 =	sshll.u32 s1, $0x11  }
0xca: {  	s0 =	sor.u32 s1, s0  }
0xcb: {  	s0 =	sadd.s32 $0x8F2B, s0  }
0xcc: {  	[sflag:s0] =	ssyncadd.remote.s32 $0x1  }
0xcd: {  	_ =	sfence.sel $0xFFFF  }
0xce: {  	[dreg:$0x0] =	wrdreg $0xFFFFFFFF;
	(pc) =	sbr.abs _section_cstart, $3  }
0xcf: {  	[dreg:$0x1] =	wrdreg $0xFFFFFFFF  }
0xd0: {  	_ =	task.clear_ibuf [dreg:s22], $0x2FFFF;
	_ =	strace $0x9FFFFFFF  }
0xd1: {  	(tm) =	ssettm $0x7FFFFFFF  }
tec
execute0_lowered:
.L_overlay_start_1:
0x0: {  	(tag) =	ssettag $0x1  }
0x1: {  	s1 =	srdreg.scid  }
0x2: {  	s3 =	rddreg [dreg:$0x0];
	s0 =	stileid.u32;
	s10 =	sand.u32 $0x1, s1  }
0x3: {  	s9 =	rddreg [dreg:$0x1];
	s4 =	sshll.u32 s0, $0xA;
	s5 =	sshll.u32 s10, $0x9  }
0x4: {  	s2 =	simm.s32 $0x0;
	s1 =	rddreg [dreg:$0x2];
	s8 =	sor.u32 s5, s4  }
0x5: {  	[smem:$0x7FF] =	sst s2;
	s4 =	sshrl.u32 s8, $0x3  }
0x6: {  	_ =	strace $0x8000004A;
	s4 =	sadd.s32 s3, s4;
	s3 =	simm.s32 $0x2  }
0x7: {  	[tilespmem:s2], [sflag:$0x2] =	stream.linear.gather [hbm4b:s4+s2], $0x200, $0x38;
	[tilespmem:$0x10200] =	vst v63  }
0x8: {  	_ =	swait.ge [sflag:s3], $0x200  }
0x9: {  	s6 =	simm.s32 $0x200;
	[sflag:s3] =	ssyncset.done $0x0  }
0xa: {  	s7 =	simm.s32 $0x1;
	s5 =	sadd.s32 $0x844000, s9;
	[sflag:s3] =	ssyncadd.s32 $0xFFFFFE00  }
0xb: {  	[tilespmem:s6], [sflag:$0x1] =	stream.indirect.gather [hbm4b:s5+s6], $0x80, s2, s6, $0xb8;
	[tilespmem:$0x10200] =	vst v63  }
0xc: {  	s8 =	sshll.u32 s8, $0x4;
	_ =	swait.ge [sflag:s7], $0x10000  }
0xd: {  	s11 =	sadd.s32 s8, s9;
	[sflag:s7] =	ssyncset.done $0x0  }
0xe: {  	s10 =	ssub.s32 $0x2, s10;
	s8 =	sadd.s32 $0x944000, s11;
	[sflag:s7] =	ssyncadd.s32 $0xFFFF0000  }
0xf: {  	[hbm4b:s8+s2] =	stream.linear.scatter [tilespmem:s6], [sflag:$0x2], $0x10000, $0x38;
	[tilespmem:$0x10200] =	vst v63  }
0x10: {  	s12 =	sshrl.u32 s10, $0x1;
	_ =	swait.ge [sflag:s3], $0x10000  }
0x11: {  	s12 =	ssub.s32 s10, s12;
	[sflag:s3] =	ssyncset.done $0x0  }
0x12: {  	s9 =	sadd.s32 $0x8C4000, s9;
	s31 =	smax.u32 s12, $0x1;
	[sflag:s3] =	ssyncadd.s32 $0xFFFF0000  }
0x13: {  	[tilespmem:s6], [sflag:$0x1] =	stream.indirect.gather [hbm4b:s9+s6], $0x80, s2, s6, $0xb8;
	[tilespmem:$0x10200] =	vst v63  }
0x14: {  	p0 =	sne.s32 s31, $0x1;
	_ =	swait.ge [sflag:s7], $0x10000  }
.Ltmp0:
0x15: {  	[sflag:s7] =	ssyncset.done $0x0;
	(pc) =	sbr.rel @!p0 .LBB2_2-.Ltmp0, $4  }
0x16: {  	s10 =	sadd.s32 $0x984000, s11;
	[sflag:s7] =	ssyncadd.s32 $0xFFFF0000  }
0x17: {  	[hbm4b:s10+s2] =	stream.linear.scatter [tilespmem:s6], [sflag:$0x2], $0x10000, $0x38;
	[tilespmem:$0x10200] =	vst v63  }
0x18: {  	_ =	swait.ge [sflag:s3], $0x10000  }
0x19: {  	s11 =	sadd.s32 $0xFFFFFFFF, s31;
	[sflag:s3] =	ssyncset.done $0x0  }
.LBB2_1:
0x1a: {  	p0 =	sne.s32 s11, $0x1;
	s11 =	sadd.s32 $0xFFFFFFFF, s11;
	[sflag:s3] =	ssyncadd.s32 $0xFFFF0000  }
0x1b: {  	[tilespmem:s2], [sflag:$0x2] =	stream.linear.gather [hbm4b:s4+s2], $0x200, $0x38;
	[tilespmem:$0x10200] =	vst v63  }
0x1c: {  	_ =	swait.ge [sflag:s3], $0x200  }
0x1d: {  	[sflag:s3] =	ssyncset.done $0x0  }
0x1e: {  	[sflag:s3] =	ssyncadd.s32 $0xFFFFFE00  }
0x1f: {  	[tilespmem:s6], [sflag:$0x1] =	stream.indirect.gather [hbm4b:s5+s6], $0x80, s2, s6, $0xb8;
	[tilespmem:$0x10200] =	vst v63  }
0x20: {  	_ =	swait.ge [sflag:s7], $0x10000  }
0x21: {  	[sflag:s7] =	ssyncset.done $0x0  }
0x22: {  	[sflag:s7] =	ssyncadd.s32 $0xFFFF0000  }
0x23: {  	[hbm4b:s8+s2] =	stream.linear.scatter [tilespmem:s6], [sflag:$0x2], $0x10000, $0x38;
	[tilespmem:$0x10200] =	vst v63  }
0x24: {  	_ =	swait.ge [sflag:s3], $0x10000  }
0x25: {  	[sflag:s3] =	ssyncset.done $0x0  }
0x26: {  	[sflag:s3] =	ssyncadd.s32 $0xFFFF0000  }
0x27: {  	[tilespmem:s6], [sflag:$0x1] =	stream.indirect.gather [hbm4b:s9+s6], $0x80, s2, s6, $0xb8;
	[tilespmem:$0x10200] =	vst v63  }
0x28: {  	_ =	swait.ge [sflag:s7], $0x10000  }
.Ltmp1:
0x29: {  	[sflag:s7] =	ssyncset.done $0x0;
	(pc) =	sbr.rel @p0 .LBB2_1-.Ltmp1, $4  }
0x2a: {  	[sflag:s7] =	ssyncadd.s32 $0xFFFF0000  }
0x2b: {  	[hbm4b:s10+s2] =	stream.linear.scatter [tilespmem:s6], [sflag:$0x2], $0x10000, $0x38;
	[tilespmem:$0x10200] =	vst v63  }
0x2c: {  	_ =	swait.ge [sflag:s3], $0x10000  }
0x2d: {  	[sflag:s3] =	ssyncset.done $0x0  }
.LBB2_2:
0x2e: {  	[sflag:s3] =	ssyncadd.s32 $0xFFFF0000  }
0x2f: {  	_ =	sfence.sel $0x180000  }
0x30: {  	[bflag:$0x0] =	sbarrier.arrive $0xFFFF  }
0x31: {  	p0 =	sne.s32 s0, $0x0;
	_ =	strace $0x9000004A  }
0x32: {  	s0 =	sadd.s32 @!p0 $0x100000, s1;
	[bflag:$0x2] =	sbarrier.arrive $0xFFFF  }
0x33: {  	[sflag:s0] =	ssyncadd.tile.s32 @!p0 $0x1;
	_ =	shalt  }
.Lfunc_end2:
_tile_overlayer_lowered:
.L_overlay_start_2:
0x34: {  	(tag) =	ssettag $0x2  }
0x35: {  	s0 =	rddreg [dreg:$0x0];
	s2 =	stileid.u32  }
0x36: {  	s1 =	rddreg [dreg:$0x1];
	p0 =	sne.s32 s2, $0x0  }
0x37: {  	s3 =	rddreg [dreg:$0x2];
	[bflag:$0x3] =	sbarrier.arrive $0xFFFF;
	s2 =	simm.s32 @!p0 $0x1C02  }
0x38: {  	[timem:s3], [sflag:s2] =	dma.local @!p0 [hbm:s0], s1  }
0x39: {  	s0 =	simm.s32 @!p0 $0x2  }
0x3a: {  	_ =	swait.ge @!p0 [sflag:s0], s1  }
0x3b: {  	s1 =	ssub.s32 @!p0 $0x0, s1;
	[sflag:s0] =	ssyncset.done @!p0 $0x0  }
0x3c: {  	[sflag:s0] =	ssyncadd.s32 @!p0 s1  }
0x3d: {  	[bflag:$0x3] =	sbarrier.arrive $0xFFFF  }
0x3e: {  	_ =	shalt  }

</sc_bundles>
